<compile_context>
chip_gen: v7x
topology: tpu7x:2x2x1
jax: 0.10.2.dev20260603
libtpu: 0.0.44.dev20260713+nightly
codegen_flags: <defaults>
</compile_context>

<pallas_src>
import functools

import jax
import jax.numpy as jnp
from jax import lax
from jax.experimental import pallas as pl
from jax.experimental.pallas import tpu as pltpu
from jax.experimental.pallas import tpu_sc as plsc

NC = 2
NS = 16
DEGW = 16
HALF = 64
WID = HALF + DEGW
BATCH = 128
STAGE = 8
N_PAD = 10240


def _sc_scatter(src3d, dst3d, xa):
    _, chunks, batch = src3d.shape
    n = xa.shape[0] // NC
    rows_per_sub = N_PAD // NS
    zrows = 128
    zcopies = rows_per_sub // zrows

    mesh = plsc.VectorSubcoreMesh(core_axis_name="c", subcore_axis_name="s")

    @functools.partial(
        pl.kernel,
        out_type=jax.ShapeDtypeStruct((NC, N_PAD, WID), jnp.float32),
        mesh=mesh,
        scratch_types=[
            pltpu.VMEM((STAGE, batch), jnp.int32),
            pltpu.VMEM((STAGE, batch), jnp.int32),
            pltpu.VMEM((batch, WID), jnp.float32),
            pltpu.VMEM((batch, WID), jnp.float32),
            pltpu.VMEM_SHARED((N_PAD, WID), jnp.float32),
            pltpu.SemaphoreType.DMA,
            pltpu.SemaphoreType.DMA,
        ],
        compiler_params=pltpu.CompilerParams(use_tc_tiling_on_sc=False),
    )
    def sc_kernel(src_hbm, dst_hbm, xa_hbm, acc_out,
                  src_v, dst_v, rows_a, rows_b, acc_sh, sem_a, sem_b):
        cid = lax.axis_index("c")
        sid = lax.axis_index("s")

        zseg = jnp.zeros((16,), jnp.float32)

        def zero_row(i, carry):
            for j in range(WID // 16):
                rows_a[i, pl.ds(j * 16, 16)] = zseg
            return carry

        lax.fori_loop(0, zrows, zero_row, 0)

        base = sid * rows_per_sub
        for k in range(zcopies):
            pltpu.sync_copy(rows_a, acc_sh.at[pl.ds(base + k * zrows, zrows)])
        plsc.subcore_barrier()

        table_off = cid * n
        bufs = (rows_a, rows_b)
        sems = (sem_a, sem_b)

        def process_stage(h, carry):
            pltpu.sync_copy(src_hbm.at[sid, pl.ds(h * STAGE, STAGE)], src_v)
            pltpu.sync_copy(dst_hbm.at[sid, pl.ds(h * STAGE, STAGE)], dst_v)

            def add_off(i, c2):
                for j in range(batch // 16):
                    sl = pl.ds(j * 16, 16)
                    src_v[i, sl] = src_v[i, sl] + table_off
                return c2

            lax.fori_loop(0, STAGE, add_off, 0)

            waits = [None, None]
            waits[0] = pltpu.async_copy(
                xa_hbm.at[src_v.at[0]], bufs[0], sems[0])
            for j in range(STAGE):
                p = j % 2
                if j + 1 < STAGE:
                    waits[1 - p] = pltpu.async_copy(
                        xa_hbm.at[src_v.at[j + 1]], bufs[1 - p], sems[1 - p])
                waits[p].wait()
                pltpu.sync_copy(bufs[p], acc_sh.at[dst_v.at[j]], add=True)
            return carry

        lax.fori_loop(0, chunks // STAGE, process_stage, 0)
        plsc.subcore_barrier()

        for k in range(zcopies):
            pltpu.sync_copy(acc_sh.at[pl.ds(base + k * zrows, zrows)], rows_a)
            pltpu.sync_copy(
                rows_a, acc_out.at[cid, pl.ds(base + k * zrows, zrows)])

    return sc_kernel(src3d, dst3d, xa)


def _tc_combine(x, acc, w_self, w_neigh, b2d):
    n, d = x.shape
    blk = 1000

    def body(x_ref, al_ref, ar_ref, ws_ref, wn_ref, b_ref, o_ref):
        deg_col = jnp.maximum(al_ref[0, :, HALF:HALF + 1], 1.0)
        agg = jnp.concatenate([al_ref[0, :, :HALF], ar_ref[0, :, :HALF]],
                              axis=1) / deg_col
        acc_o = jnp.dot(x_ref[...], ws_ref[...],
                        preferred_element_type=jnp.float32)
        acc_o = acc_o + jnp.dot(agg, wn_ref[...],
                                preferred_element_type=jnp.float32)
        o_ref[...] = jnp.maximum(acc_o + b_ref[...], 0.0)

    return pl.pallas_call(
        body,
        grid=(n // blk,),
        in_specs=[
            pl.BlockSpec((blk, d), lambda i: (i, 0)),
            pl.BlockSpec((1, blk, WID), lambda i: (0, i, 0)),
            pl.BlockSpec((1, blk, WID), lambda i: (1, i, 0)),
            pl.BlockSpec((d, d), lambda i: (0, 0)),
            pl.BlockSpec((d, d), lambda i: (0, 0)),
            pl.BlockSpec((1, d), lambda i: (0, 0)),
        ],
        out_specs=pl.BlockSpec((blk, d), lambda i: (i, 0)),
        out_shape=jax.ShapeDtypeStruct((n, d), jnp.float32),
    )(x, acc, acc, w_self, w_neigh, b2d)


def kernel(x, edge_index, W_self, W_neigh, b):
    n, d = x.shape
    e = edge_index.shape[1]
    e_pad = NS * 160 * BATCH
    pad = e_pad - e

    onecol = jnp.concatenate(
        [jnp.ones((n, 1), jnp.float32),
         jnp.zeros((n, DEGW - 1), jnp.float32)], axis=1)
    xa = jnp.concatenate(
        [jnp.concatenate([x[:, :HALF], onecol], axis=1),
         jnp.concatenate([x[:, HALF:], onecol], axis=1)], axis=0)

    ar = jnp.arange(pad, dtype=jnp.int32)
    src = jnp.concatenate([edge_index[0], ar % n])
    dst = jnp.concatenate([edge_index[1], n + ar % (N_PAD - n)])
    src3d = src.reshape(NS, e_pad // (NS * BATCH), BATCH)
    dst3d = dst.reshape(NS, e_pad // (NS * BATCH), BATCH)

    acc = _sc_scatter(src3d, dst3d, xa)
    return _tc_combine(x, acc, W_self, W_neigh, b.reshape(1, d))

# --- scband reference (transcript-rebuilt; emitter-appended) ---
"""Pipeline reference for scband-gnnlayer-24730421690403 (READ-ONLY COPY).

The authoritative reference and input builder live on the scoring server;
editing this copy changes nothing except your own understanding.
"""

import jax, jax.numpy as jnp
import numpy as np

N_NODES = 10000
D = 128
N_EDGES = 320000


def setup_inputs(seed: int = 0) -> dict:
    key = jax.random.key(seed)
    k1, k2, k3, k4 = jax.random.split(key, 4)
    x = jax.random.normal(k1, (N_NODES, D), dtype=jnp.float32)
    edge_index = jax.random.randint(k2, (2, N_EDGES), 0, N_NODES, dtype=jnp.int32)
    W_self = jax.random.normal(k3, (D, D), dtype=jnp.float32) * (1.0 / np.sqrt(D))
    W_neigh = jax.random.normal(k4, (D, D), dtype=jnp.float32) * (1.0 / np.sqrt(D))
    b = jnp.zeros((D,), dtype=jnp.float32)
    return {"x": x, "edge_index": edge_index, "W_self": W_self, "W_neigh": W_neigh, "b": b}


def reference(x, edge_index, W_self, W_neigh, b):
    # GraphSAGE-mean style GNN layer:
    #   agg_i = mean_{j in N(i)} x_j
    #   out_i = relu(x_i @ W_self + agg_i @ W_neigh + b)
    N = x.shape[0]
    src = edge_index[0]
    dst = edge_index[1]
    msgs = jnp.take(x, src, axis=0)                                  # gather [E, D]
    agg = jax.ops.segment_sum(msgs, dst, num_segments=N)             # scatter-add [N, D]
    deg = jax.ops.segment_sum(jnp.ones((src.shape[0],), dtype=x.dtype), dst, num_segments=N)
    agg = agg / jnp.clip(deg, 1.0)[:, None]                          # mean aggregation
    out = jax.nn.relu(x @ W_self + agg @ W_neigh + b)
    return out

if __name__ == "__main__":
    import jax
    _d = setup_inputs()
    print(jax.jit(kernel)(*tuple(_d.values())))

</pallas_src>

<mosaic_0001>
#map = affine_map<(d0, d1) -> (0, 0, 0)>
#map1 = affine_map<(d0, d1) -> (0, 0)>
module attributes {stable_mosaic.version = 14 : i64} {
  func.func @sc_kernel(%arg0: i32, %arg1: i32, %arg2: memref<16x160x128xi32, #tpu.memory_space<hbm>>, %arg3: memref<16x160x128xi32, #tpu.memory_space<hbm>>, %arg4: memref<20000x80xf32, #tpu.memory_space<hbm>>, %arg5: memref<2x10240x80xf32, #tpu.memory_space<hbm>>, %arg6: memref<8x128xi32, #tpu.memory_space<vmem>>, %arg7: memref<8x128xi32, #tpu.memory_space<vmem>>, %arg8: memref<128x80xf32, #tpu.memory_space<vmem>>, %arg9: memref<128x80xf32, #tpu.memory_space<vmem>>, %arg10: memref<10240x80xf32, #tpu.memory_space<vmem_shared>>, %arg11: memref<!tpu.dma_semaphore, #tpu.memory_space<semaphore_mem>>, %arg12: memref<!tpu.dma_semaphore, #tpu.memory_space<semaphore_mem>>) attributes {dimension_semantics = [#tpu.dimension_semantics<core_parallel>, #tpu.dimension_semantics<subcore_parallel>], iteration_bounds = array<i64: 2, 16>, scalar_prefetch = 0 : i64, scratch_operands = 7 : i64, tpu.core_type = #tpu.core_type<sc_vector_subcore>, window_params = [{transform_indices = #map}, {transform_indices = #map}, {transform_indices = #map1}, {transform_indices = #map}]} {
    %broadcast_in_dim3A = arith.constant 0.000000e+00 : f32
    %broadcast_in_dim3A_0 = vector.broadcast %broadcast_in_dim3A : f32 to vector<16xf32>
    %scan3A = arith.constant 0 : i32
    %scan3A_1 = arith.constant 0 : i32
    %scan3A_2 = arith.constant 128 : i32
    %scan3A_3 = arith.addi %scan3A_1, %scan3A_2 : i32
    %scan3A_4 = arith.constant 1 : i32
    scf.for %scan3A_45 = %scan3A_1 to %scan3A_3 step %scan3A_4  : i32 {
      %swap3A = arith.index_cast %scan3A_45 : i32 to index
      %swap3A_46 = arith.constant 0 : index
      %swap3A_47 = tpu.vector_load %arg8[%swap3A, %swap3A_46] {strides = array<i32>} : memref<128x80xf32, #tpu.memory_space<vmem>>, vector<1x16xf32>,
      %swap3A_48 = vector.shape_cast %swap3A_47 : vector<1x16xf32> to vector<16xf32>
      %swap3A_49 = vector.shape_cast %broadcast_in_dim3A_0 : vector<16xf32> to vector<1x16xf32>
      tpu.vector_store %arg8[%swap3A, %swap3A_46], %swap3A_49 {strides = array<i32>} : memref<128x80xf32, #tpu.memory_space<vmem>>, vector<1x16xf32>,
      %swap3A_50 = arith.index_cast %scan3A_45 : i32 to index
      %swap3A_51 = arith.constant 16 : index
      %swap3A_52 = tpu.vector_load %arg8[%swap3A_50, %swap3A_51] {strides = array<i32>} : memref<128x80xf32, #tpu.memory_space<vmem>>, vector<1x16xf32>,
      %swap3A_53 = vector.shape_cast %swap3A_52 : vector<1x16xf32> to vector<16xf32>
      %swap3A_54 = vector.shape_cast %broadcast_in_dim3A_0 : vector<16xf32> to vector<1x16xf32>
      tpu.vector_store %arg8[%swap3A_50, %swap3A_51], %swap3A_54 {strides = array<i32>} : memref<128x80xf32, #tpu.memory_space<vmem>>, vector<1x16xf32>,
      %swap3A_55 = arith.index_cast %scan3A_45 : i32 to index
      %swap3A_56 = arith.constant 32 : index
      %swap3A_57 = tpu.vector_load %arg8[%swap3A_55, %swap3A_56] {strides = array<i32>} : memref<128x80xf32, #tpu.memory_space<vmem>>, vector<1x16xf32>,
      %swap3A_58 = vector.shape_cast %swap3A_57 : vector<1x16xf32> to vector<16xf32>
      %swap3A_59 = vector.shape_cast %broadcast_in_dim3A_0 : vector<16xf32> to vector<1x16xf32>
      tpu.vector_store %arg8[%swap3A_55, %swap3A_56], %swap3A_59 {strides = array<i32>} : memref<128x80xf32, #tpu.memory_space<vmem>>, vector<1x16xf32>,
      %swap3A_60 = arith.index_cast %scan3A_45 : i32 to index
      %swap3A_61 = arith.constant 48 : index
      %swap3A_62 = tpu.vector_load %arg8[%swap3A_60, %swap3A_61] {strides = array<i32>} : memref<128x80xf32, #tpu.memory_space<vmem>>, vector<1x16xf32>,
      %swap3A_63 = vector.shape_cast %swap3A_62 : vector<1x16xf32> to vector<16xf32>
      %swap3A_64 = vector.shape_cast %broadcast_in_dim3A_0 : vector<16xf32> to vector<1x16xf32>
      tpu.vector_store %arg8[%swap3A_60, %swap3A_61], %swap3A_64 {strides = array<i32>} : memref<128x80xf32, #tpu.memory_space<vmem>>, vector<1x16xf32>,
      %swap3A_65 = arith.index_cast %scan3A_45 : i32 to index
      %swap3A_66 = arith.constant 64 : index
      %swap3A_67 = tpu.vector_load %arg8[%swap3A_65, %swap3A_66] {strides = array<i32>} : memref<128x80xf32, #tpu.memory_space<vmem>>, vector<1x16xf32>,
      %swap3A_68 = vector.shape_cast %swap3A_67 : vector<1x16xf32> to vector<16xf32>
      %swap3A_69 = vector.shape_cast %broadcast_in_dim3A_0 : vector<16xf32> to vector<1x16xf32>
      tpu.vector_store %arg8[%swap3A_65, %swap3A_66], %swap3A_69 {strides = array<i32>} : memref<128x80xf32, #tpu.memory_space<vmem>>, vector<1x16xf32>,
    }
    %scan3A_5 = arith.constant 128 : i32
    %mul3A = arith.constant 640 : i32
    %mul3A_6 = arith.muli %arg1, %mul3A : i32
    %add3A = arith.constant 0 : i32
    %add3A_7 = arith.addi %mul3A_6, %add3A : i32
    "tpu.region"() ({
      %run_scoped3A = tpu.sem_alloc : memref<!tpu.dma_semaphore, #tpu.memory_space<semaphore_mem>>
      %dma_start3A = arith.constant 0 : i32
      %dma_start3A_45 = tpu.memref_slice %arg10[%add3A_7, %dma_start3A] : memref<10240x80xf32, #tpu.memory_space<vmem_shared>> -> memref<128x80xf32, #tpu.memory_space<vmem_shared>>
      %dma_start3A_46 = arith.constant 0 : i32
      %dma_start3A_47 = tpu.memref_slice %arg10[%add3A_7, %dma_start3A_46] : memref<10240x80xf32, #tpu.memory_space<vmem_shared>> -> memref<128x80xf32, #tpu.memory_space<vmem_shared>>
      tpu.enqueue_dma source(%arg8 : memref<128x80xf32, #tpu.memory_space<vmem>>) target(%dma_start3A_47 : memref<128x80xf32, #tpu.memory_space<vmem_shared>>) target_semaphore(%run_scoped3A : memref<!tpu.dma_semaphore, #tpu.memory_space<semaphore_mem>>)
      %dma_wait3A = arith.constant 0 : i32
      %dma_wait3A_48 = tpu.memref_slice %arg10[%add3A_7, %dma_wait3A] : memref<10240x80xf32, #tpu.memory_space<vmem_shared>> -> memref<128x80xf32, #tpu.memory_space<vmem_shared>>
      %dma_wait3A_49 = arith.constant 0 : i32
      %dma_wait3A_50 = tpu.memref_slice %arg10[%add3A_7, %dma_wait3A_49] : memref<10240x80xf32, #tpu.memory_space<vmem_shared>> -> memref<128x80xf32, #tpu.memory_space<vmem_shared>>
      tpu.wait_dma2 semaphore(%run_scoped3A : memref<!tpu.dma_semaphore, #tpu.memory_space<semaphore_mem>>) src(%arg8 : memref<128x80xf32, #tpu.memory_space<vmem>>) dst(%dma_wait3A_50 : memref<128x80xf32, #tpu.memory_space<vmem_shared>>)
      tpu.yield
    }) : () -> ()
    %add3A_8 = arith.constant 128 : i32
    %add3A_9 = arith.addi %mul3A_6, %add3A_8 : i32
    "tpu.region"() ({
      %run_scoped3A = tpu.sem_alloc : memref<!tpu.dma_semaphore, #tpu.memory_space<semaphore_mem>>
      %dma_start3A = arith.constant 0 : i32
      %dma_start3A_45 = tpu.memref_slice %arg10[%add3A_9, %dma_start3A] : memref<10240x80xf32, #tpu.memory_space<vmem_shared>> -> memref<128x80xf32, #tpu.memory_space<vmem_shared>>
      %dma_start3A_46 = arith.constant 0 : i32
      %dma_start3A_47 = tpu.memref_slice %arg10[%add3A_9, %dma_start3A_46] : memref<10240x80xf32, #tpu.memory_space<vmem_shared>> -> memref<128x80xf32, #tpu.memory_space<vmem_shared>>
      tpu.enqueue_dma source(%arg8 : memref<128x80xf32, #tpu.memory_space<vmem>>) target(%dma_start3A_47 : memref<128x80xf32, #tpu.memory_space<vmem_shared>>) target_semaphore(%run_scoped3A : memref<!tpu.dma_semaphore, #tpu.memory_space<semaphore_mem>>)
      %dma_wait3A = arith.constant 0 : i32
      %dma_wait3A_48 = tpu.memref_slice %arg10[%add3A_9, %dma_wait3A] : memref<10240x80xf32, #tpu.memory_space<vmem_shared>> -> memref<128x80xf32, #tpu.memory_space<vmem_shared>>
      %dma_wait3A_49 = arith.constant 0 : i32
      %dma_wait3A_50 = tpu.memref_slice %arg10[%add3A_9, %dma_wait3A_49] : memref<10240x80xf32, #tpu.memory_space<vmem_shared>> -> memref<128x80xf32, #tpu.memory_space<vmem_shared>>
      tpu.wait_dma2 semaphore(%run_scoped3A : memref<!tpu.dma_semaphore, #tpu.memory_space<semaphore_mem>>) src(%arg8 : memref<128x80xf32, #tpu.memory_space<vmem>>) dst(%dma_wait3A_50 : memref<128x80xf32, #tpu.memory_space<vmem_shared>>)
      tpu.yield
    }) : () -> ()
    %add3A_10 = arith.constant 256 : i32
    %add3A_11 = arith.addi %mul3A_6, %add3A_10 : i32
    "tpu.region"() ({
      %run_scoped3A = tpu.sem_alloc : memref<!tpu.dma_semaphore, #tpu.memory_space<semaphore_mem>>
      %dma_start3A = arith.constant 0 : i32
      %dma_start3A_45 = tpu.memref_slice %arg10[%add3A_11, %dma_start3A] : memref<10240x80xf32, #tpu.memory_space<vmem_shared>> -> memref<128x80xf32, #tpu.memory_space<vmem_shared>>
      %dma_start3A_46 = arith.constant 0 : i32
      %dma_start3A_47 = tpu.memref_slice %arg10[%add3A_11, %dma_start3A_46] : memref<10240x80xf32, #tpu.memory_space<vmem_shared>> -> memref<128x80xf32, #tpu.memory_space<vmem_shared>>
      tpu.enqueue_dma source(%arg8 : memref<128x80xf32, #tpu.memory_space<vmem>>) target(%dma_start3A_47 : memref<128x80xf32, #tpu.memory_space<vmem_shared>>) target_semaphore(%run_scoped3A : memref<!tpu.dma_semaphore, #tpu.memory_space<semaphore_mem>>)
      %dma_wait3A = arith.constant 0 : i32
      %dma_wait3A_48 = tpu.memref_slice %arg10[%add3A_11, %dma_wait3A] : memref<10240x80xf32, #tpu.memory_space<vmem_shared>> -> memref<128x80xf32, #tpu.memory_space<vmem_shared>>
      %dma_wait3A_49 = arith.constant 0 : i32
      %dma_wait3A_50 = tpu.memref_slice %arg10[%add3A_11, %dma_wait3A_49] : memref<10240x80xf32, #tpu.memory_space<vmem_shared>> -> memref<128x80xf32, #tpu.memory_space<vmem_shared>>
      tpu.wait_dma2 semaphore(%run_scoped3A : memref<!tpu.dma_semaphore, #tpu.memory_space<semaphore_mem>>) src(%arg8 : memref<128x80xf32, #tpu.memory_space<vmem>>) dst(%dma_wait3A_50 : memref<128x80xf32, #tpu.memory_space<vmem_shared>>)
      tpu.yield
    }) : () -> ()
    %add3A_12 = arith.constant 384 : i32
    %add3A_13 = arith.addi %mul3A_6, %add3A_12 : i32
    "tpu.region"() ({
      %run_scoped3A = tpu.sem_alloc : memref<!tpu.dma_semaphore, #tpu.memory_space<semaphore_mem>>
      %dma_start3A = arith.constant 0 : i32
      %dma_start3A_45 = tpu.memref_slice %arg10[%add3A_13, %dma_start3A] : memref<10240x80xf32, #tpu.memory_space<vmem_shared>> -> memref<128x80xf32, #tpu.memory_space<vmem_shared>>
      %dma_start3A_46 = arith.constant 0 : i32
      %dma_start3A_47 = tpu.memref_slice %arg10[%add3A_13, %dma_start3A_46] : memref<10240x80xf32, #tpu.memory_space<vmem_shared>> -> memref<128x80xf32, #tpu.memory_space<vmem_shared>>
      tpu.enqueue_dma source(%arg8 : memref<128x80xf32, #tpu.memory_space<vmem>>) target(%dma_start3A_47 : memref<128x80xf32, #tpu.memory_space<vmem_shared>>) target_semaphore(%run_scoped3A : memref<!tpu.dma_semaphore, #tpu.memory_space<semaphore_mem>>)
      %dma_wait3A = arith.constant 0 : i32
      %dma_wait3A_48 = tpu.memref_slice %arg10[%add3A_13, %dma_wait3A] : memref<10240x80xf32, #tpu.memory_space<vmem_shared>> -> memref<128x80xf32, #tpu.memory_space<vmem_shared>>
      %dma_wait3A_49 = arith.constant 0 : i32
      %dma_wait3A_50 = tpu.memref_slice %arg10[%add3A_13, %dma_wait3A_49] : memref<10240x80xf32, #tpu.memory_space<vmem_shared>> -> memref<128x80xf32, #tpu.memory_space<vmem_shared>>
      tpu.wait_dma2 semaphore(%run_scoped3A : memref<!tpu.dma_semaphore, #tpu.memory_space<semaphore_mem>>) src(%arg8 : memref<128x80xf32, #tpu.memory_space<vmem>>) dst(%dma_wait3A_50 : memref<128x80xf32, #tpu.memory_space<vmem_shared>>)
      tpu.yield
    }) : () -> ()
    %add3A_14 = arith.constant 512 : i32
    %add3A_15 = arith.addi %mul3A_6, %add3A_14 : i32
    "tpu.region"() ({
      %run_scoped3A = tpu.sem_alloc : memref<!tpu.dma_semaphore, #tpu.memory_space<semaphore_mem>>
      %dma_start3A = arith.constant 0 : i32
      %dma_start3A_45 = tpu.memref_slice %arg10[%add3A_15, %dma_start3A] : memref<10240x80xf32, #tpu.memory_space<vmem_shared>> -> memref<128x80xf32, #tpu.memory_space<vmem_shared>>
      %dma_start3A_46 = arith.constant 0 : i32
      %dma_start3A_47 = tpu.memref_slice %arg10[%add3A_15, %dma_start3A_46] : memref<10240x80xf32, #tpu.memory_space<vmem_shared>> -> memref<128x80xf32, #tpu.memory_space<vmem_shared>>
      tpu.enqueue_dma source(%arg8 : memref<128x80xf32, #tpu.memory_space<vmem>>) target(%dma_start3A_47 : memref<128x80xf32, #tpu.memory_space<vmem_shared>>) target_semaphore(%run_scoped3A : memref<!tpu.dma_semaphore, #tpu.memory_space<semaphore_mem>>)
      %dma_wait3A = arith.constant 0 : i32
      %dma_wait3A_48 = tpu.memref_slice %arg10[%add3A_15, %dma_wait3A] : memref<10240x80xf32, #tpu.memory_space<vmem_shared>> -> memref<128x80xf32, #tpu.memory_space<vmem_shared>>
      %dma_wait3A_49 = arith.constant 0 : i32
      %dma_wait3A_50 = tpu.memref_slice %arg10[%add3A_15, %dma_wait3A_49] : memref<10240x80xf32, #tpu.memory_space<vmem_shared>> -> memref<128x80xf32, #tpu.memory_space<vmem_shared>>
      tpu.wait_dma2 semaphore(%run_scoped3A : memref<!tpu.dma_semaphore, #tpu.memory_space<semaphore_mem>>) src(%arg8 : memref<128x80xf32, #tpu.memory_space<vmem>>) dst(%dma_wait3A_50 : memref<128x80xf32, #tpu.memory_space<vmem_shared>>)
      tpu.yield
    }) : () -> ()
    %barrier3A = arith.constant 0 : index
    tpu.barrier barrier_id(%barrier3A)
    %mul3A_16 = arith.constant 10000 : i32
    %mul3A_17 = arith.muli %arg0, %mul3A_16 : i32
    %scan3A_18 = arith.constant 0 : i32
    %scan3A_19 = arith.constant 0 : i32
    %scan3A_20 = arith.constant 20 : i32
    %scan3A_21 = arith.addi %scan3A_19, %scan3A_20 : i32
    %scan3A_22 = arith.constant 1 : i32
    scf.for %scan3A_45 = %scan3A_19 to %scan3A_21 step %scan3A_22  : i32 {
      %mul3A_46 = arith.constant 8 : i32
      %mul3A_47 = arith.muli %scan3A_45, %mul3A_46 : i32
      "tpu.region"() ({
        %run_scoped3A_173 = tpu.sem_alloc : memref<!tpu.dma_semaphore, #tpu.memory_space<semaphore_mem>>
        %dma_start3A_174 = arith.constant 0 : i32
        %dma_start3A_175 = tpu.memref_slice %arg2[%arg1, %mul3A_47, %dma_start3A_174] : memref<16x160x128xi32, #tpu.memory_space<hbm>> -> memref<1x8x128xi32, #tpu.memory_space<hbm>>
        %dma_start3A_176 = tpu.memref_squeeze %dma_start3A_175 : memref<1x8x128xi32, #tpu.memory_space<hbm>> -> memref<8x128xi32, #tpu.memory_space<hbm>>
        %dma_start3A_177 = arith.constant 0 : i32
        %dma_start3A_178 = tpu.memref_slice %arg2[%arg1, %mul3A_47, %dma_start3A_177] : memref<16x160x128xi32, #tpu.memory_space<hbm>> -> memref<1x8x128xi32, #tpu.memory_space<hbm>>
        %dma_start3A_179 = tpu.memref_squeeze %dma_start3A_178 : memref<1x8x128xi32, #tpu.memory_space<hbm>> -> memref<8x128xi32, #tpu.memory_space<hbm>>
        tpu.enqueue_dma source(%dma_start3A_179 : memref<8x128xi32, #tpu.memory_space<hbm>>) target(%arg6 : memref<8x128xi32, #tpu.memory_space<vmem>>) target_semaphore(%run_scoped3A_173 : memref<!tpu.dma_semaphore, #tpu.memory_space<semaphore_mem>>)
        %dma_wait3A_180 = arith.constant 0 : i32
        %dma_wait3A_181 = tpu.memref_slice %arg2[%arg1, %mul3A_47, %dma_wait3A_180] : memref<16x160x128xi32, #tpu.memory_space<hbm>> -> memref<1x8x128xi32, #tpu.memory_space<hbm>>
        %dma_wait3A_182 = tpu.memref_squeeze %dma_wait3A_181 : memref<1x8x128xi32, #tpu.memory_space<hbm>> -> memref<8x128xi32, #tpu.memory_space<hbm>>
        %dma_wait3A_183 = arith.constant 0 : i32
        %dma_wait3A_184 = tpu.memref_slice %arg2[%arg1, %mul3A_47, %dma_wait3A_183] : memref<16x160x128xi32, #tpu.memory_space<hbm>> -> memref<1x8x128xi32, #tpu.memory_space<hbm>>
        %dma_wait3A_185 = tpu.memref_squeeze %dma_wait3A_184 : memref<1x8x128xi32, #tpu.memory_space<hbm>> -> memref<8x128xi32, #tpu.memory_space<hbm>>
        tpu.wait_dma2 semaphore(%run_scoped3A_173 : memref<!tpu.dma_semaphore, #tpu.memory_space<semaphore_mem>>) src(%dma_wait3A_185 : memref<8x128xi32, #tpu.memory_space<hbm>>) dst(%arg6 : memref<8x128xi32, #tpu.memory_space<vmem>>)
        tpu.yield
      }) : () -> ()
      %mul3A_48 = arith.constant 8 : i32
      %mul3A_49 = arith.muli %scan3A_45, %mul3A_48 : i32
      "tpu.region"() ({
        %run_scoped3A_173 = tpu.sem_alloc : memref<!tpu.dma_semaphore, #tpu.memory_space<semaphore_mem>>
        %dma_start3A_174 = arith.constant 0 : i32
        %dma_start3A_175 = tpu.memref_slice %arg3[%arg1, %mul3A_49, %dma_start3A_174] : memref<16x160x128xi32, #tpu.memory_space<hbm>> -> memref<1x8x128xi32, #tpu.memory_space<hbm>>
        %dma_start3A_176 = tpu.memref_squeeze %dma_start3A_175 : memref<1x8x128xi32, #tpu.memory_space<hbm>> -> memref<8x128xi32, #tpu.memory_space<hbm>>
        %dma_start3A_177 = arith.constant 0 : i32
        %dma_start3A_178 = tpu.memref_slice %arg3[%arg1, %mul3A_49, %dma_start3A_177] : memref<16x160x128xi32, #tpu.memory_space<hbm>> -> memref<1x8x128xi32, #tpu.memory_space<hbm>>
        %dma_start3A_179 = tpu.memref_squeeze %dma_start3A_178 : memref<1x8x128xi32, #tpu.memory_space<hbm>> -> memref<8x128xi32, #tpu.memory_space<hbm>>
        tpu.enqueue_dma source(%dma_start3A_179 : memref<8x128xi32, #tpu.memory_space<hbm>>) target(%arg7 : memref<8x128xi32, #tpu.memory_space<vmem>>) target_semaphore(%run_scoped3A_173 : memref<!tpu.dma_semaphore, #tpu.memory_space<semaphore_mem>>)
        %dma_wait3A_180 = arith.constant 0 : i32
        %dma_wait3A_181 = tpu.memref_slice %arg3[%arg1, %mul3A_49, %dma_wait3A_180] : memref<16x160x128xi32, #tpu.memory_space<hbm>> -> memref<1x8x128xi32, #tpu.memory_space<hbm>>
        %dma_wait3A_182 = tpu.memref_squeeze %dma_wait3A_181 : memref<1x8x128xi32, #tpu.memory_space<hbm>> -> memref<8x128xi32, #tpu.memory_space<hbm>>
        %dma_wait3A_183 = arith.constant 0 : i32
        %dma_wait3A_184 = tpu.memref_slice %arg3[%arg1, %mul3A_49, %dma_wait3A_183] : memref<16x160x128xi32, #tpu.memory_space<hbm>> -> memref<1x8x128xi32, #tpu.memory_space<hbm>>
        %dma_wait3A_185 = tpu.memref_squeeze %dma_wait3A_184 : memref<1x8x128xi32, #tpu.memory_space<hbm>> -> memref<8x128xi32, #tpu.memory_space<hbm>>
        tpu.wait_dma2 semaphore(%run_scoped3A_173 : memref<!tpu.dma_semaphore, #tpu.memory_space<semaphore_mem>>) src(%dma_wait3A_185 : memref<8x128xi32, #tpu.memory_space<hbm>>) dst(%arg7 : memref<8x128xi32, #tpu.memory_space<vmem>>)
        tpu.yield
      }) : () -> ()
      %scan3A_50 = arith.constant 0 : i32
      %scan3A_51 = arith.constant 0 : i32
      %scan3A_52 = arith.constant 8 : i32
      %scan3A_53 = arith.addi %scan3A_51, %scan3A_52 : i32
      %scan3A_54 = arith.constant 1 : i32
      scf.for %scan3A_173 = %scan3A_51 to %scan3A_53 step %scan3A_54  : i32 {
        %get3A = arith.index_cast %scan3A_173 : i32 to index
        %get3A_174 = arith.constant 0 : index
        %get3A_175 = tpu.vector_load %arg6[%get3A, %get3A_174] {strides = array<i32>} : memref<8x128xi32, #tpu.memory_space<vmem>>, vector<1x16xi32>,
        %get3A_176 = vector.shape_cast %get3A_175 : vector<1x16xi32> to vector<16xi32>
        %add3A_177 = vector.broadcast %mul3A_17 : i32 to vector<16xi32>
        %add3A_178 = arith.addi %get3A_176, %add3A_177 : vector<16xi32>
        %swap3A = arith.index_cast %scan3A_173 : i32 to index
        %swap3A_179 = arith.constant 0 : index
        %swap3A_180 = tpu.vector_load %arg6[%swap3A, %swap3A_179] {strides = array<i32>} : memref<8x128xi32, #tpu.memory_space<vmem>>, vector<1x16xi32>,
        %swap3A_181 = vector.shape_cast %swap3A_180 : vector<1x16xi32> to vector<16xi32>
        %swap3A_182 = vector.shape_cast %add3A_178 : vector<16xi32> to vector<1x16xi32>
        tpu.vector_store %arg6[%swap3A, %swap3A_179], %swap3A_182 {strides = array<i32>} : memref<8x128xi32, #tpu.memory_space<vmem>>, vector<1x16xi32>,
        %get3A_183 = arith.index_cast %scan3A_173 : i32 to index
        %get3A_184 = arith.constant 16 : index
        %get3A_185 = tpu.vector_load %arg6[%get3A_183, %get3A_184] {strides = array<i32>} : memref<8x128xi32, #tpu.memory_space<vmem>>, vector<1x16xi32>,
        %get3A_186 = vector.shape_cast %get3A_185 : vector<1x16xi32> to vector<16xi32>
        %add3A_187 = vector.broadcast %mul3A_17 : i32 to vector<16xi32>
        %add3A_188 = arith.addi %get3A_186, %add3A_187 : vector<16xi32>
        %swap3A_189 = arith.index_cast %scan3A_173 : i32 to index
        %swap3A_190 = arith.constant 16 : index
        %swap3A_191 = tpu.vector_load %arg6[%swap3A_189, %swap3A_190] {strides = array<i32>} : memref<8x128xi32, #tpu.memory_space<vmem>>, vector<1x16xi32>,
        %swap3A_192 = vector.shape_cast %swap3A_191 : vector<1x16xi32> to vector<16xi32>
        %swap3A_193 = vector.shape_cast %add3A_188 : vector<16xi32> to vector<1x16xi32>
        tpu.vector_store %arg6[%swap3A_189, %swap3A_190], %swap3A_193 {strides = array<i32>} : memref<8x128xi32, #tpu.memory_space<vmem>>, vector<1x16xi32>,
        %get3A_194 = arith.index_cast %scan3A_173 : i32 to index
        %get3A_195 = arith.constant 32 : index
        %get3A_196 = tpu.vector_load %arg6[%get3A_194, %get3A_195] {strides = array<i32>} : memref<8x128xi32, #tpu.memory_space<vmem>>, vector<1x16xi32>,
        %get3A_197 = vector.shape_cast %get3A_196 : vector<1x16xi32> to vector<16xi32>
        %add3A_198 = vector.broadcast %mul3A_17 : i32 to vector<16xi32>
        %add3A_199 = arith.addi %get3A_197, %add3A_198 : vector<16xi32>
        %swap3A_200 = arith.index_cast %scan3A_173 : i32 to index
        %swap3A_201 = arith.constant 32 : index
        %swap3A_202 = tpu.vector_load %arg6[%swap3A_200, %swap3A_201] {strides = array<i32>} : memref<8x128xi32, #tpu.memory_space<vmem>>, vector<1x16xi32>,
        %swap3A_203 = vector.shape_cast %swap3A_202 : vector<1x16xi32> to vector<16xi32>
        %swap3A_204 = vector.shape_cast %add3A_199 : vector<16xi32> to vector<1x16xi32>
        tpu.vector_store %arg6[%swap3A_200, %swap3A_201], %swap3A_204 {strides = array<i32>} : memref<8x128xi32, #tpu.memory_space<vmem>>, vector<1x16xi32>,
        %get3A_205 = arith.index_cast %scan3A_173 : i32 to index
        %get3A_206 = arith.constant 48 : index
        %get3A_207 = tpu.vector_load %arg6[%get3A_205, %get3A_206] {strides = array<i32>} : memref<8x128xi32, #tpu.memory_space<vmem>>, vector<1x16xi32>,
        %get3A_208 = vector.shape_cast %get3A_207 : vector<1x16xi32> to vector<16xi32>
        %add3A_209 = vector.broadcast %mul3A_17 : i32 to vector<16xi32>
        %add3A_210 = arith.addi %get3A_208, %add3A_209 : vector<16xi32>
        %swap3A_211 = arith.index_cast %scan3A_173 : i32 to index
        %swap3A_212 = arith.constant 48 : index
        %swap3A_213 = tpu.vector_load %arg6[%swap3A_211, %swap3A_212] {strides = array<i32>} : memref<8x128xi32, #tpu.memory_space<vmem>>, vector<1x16xi32>,
        %swap3A_214 = vector.shape_cast %swap3A_213 : vector<1x16xi32> to vector<16xi32>
        %swap3A_215 = vector.shape_cast %add3A_210 : vector<16xi32> to vector<1x16xi32>
        tpu.vector_store %arg6[%swap3A_211, %swap3A_212], %swap3A_215 {strides = array<i32>} : memref<8x128xi32, #tpu.memory_space<vmem>>, vector<1x16xi32>,
        %get3A_216 = arith.index_cast %scan3A_173 : i32 to index
        %get3A_217 = arith.constant 64 : index
        %get3A_218 = tpu.vector_load %arg6[%get3A_216, %get3A_217] {strides = array<i32>} : memref<8x128xi32, #tpu.memory_space<vmem>>, vector<1x16xi32>,
        %get3A_219 = vector.shape_cast %get3A_218 : vector<1x16xi32> to vector<16xi32>
        %add3A_220 = vector.broadcast %mul3A_17 : i32 to vector<16xi32>
        %add3A_221 = arith.addi %get3A_219, %add3A_220 : vector<16xi32>
        %swap3A_222 = arith.index_cast %scan3A_173 : i32 to index
        %swap3A_223 = arith.constant 64 : index
        %swap3A_224 = tpu.vector_load %arg6[%swap3A_222, %swap3A_223] {strides = array<i32>} : memref<8x128xi32, #tpu.memory_space<vmem>>, vector<1x16xi32>,
        %swap3A_225 = vector.shape_cast %swap3A_224 : vector<1x16xi32> to vector<16xi32>
        %swap3A_226 = vector.shape_cast %add3A_221 : vector<16xi32> to vector<1x16xi32>
        tpu.vector_store %arg6[%swap3A_222, %swap3A_223], %swap3A_226 {strides = array<i32>} : memref<8x128xi32, #tpu.memory_space<vmem>>, vector<1x16xi32>,
        %get3A_227 = arith.index_cast %scan3A_173 : i32 to index
        %get3A_228 = arith.constant 80 : index
        %get3A_229 = tpu.vector_load %arg6[%get3A_227, %get3A_228] {strides = array<i32>} : memref<8x128xi32, #tpu.memory_space<vmem>>, vector<1x16xi32>,
        %get3A_230 = vector.shape_cast %get3A_229 : vector<1x16xi32> to vector<16xi32>
        %add3A_231 = vector.broadcast %mul3A_17 : i32 to vector<16xi32>
        %add3A_232 = arith.addi %get3A_230, %add3A_231 : vector<16xi32>
        %swap3A_233 = arith.index_cast %scan3A_173 : i32 to index
        %swap3A_234 = arith.constant 80 : index
        %swap3A_235 = tpu.vector_load %arg6[%swap3A_233, %swap3A_234] {strides = array<i32>} : memref<8x128xi32, #tpu.memory_space<vmem>>, vector<1x16xi32>,
        %swap3A_236 = vector.shape_cast %swap3A_235 : vector<1x16xi32> to vector<16xi32>
        %swap3A_237 = vector.shape_cast %add3A_232 : vector<16xi32> to vector<1x16xi32>
        tpu.vector_store %arg6[%swap3A_233, %swap3A_234], %swap3A_237 {strides = array<i32>} : memref<8x128xi32, #tpu.memory_space<vmem>>, vector<1x16xi32>,
        %get3A_238 = arith.index_cast %scan3A_173 : i32 to index
        %get3A_239 = arith.constant 96 : index
        %get3A_240 = tpu.vector_load %arg6[%get3A_238, %get3A_239] {strides = array<i32>} : memref<8x128xi32, #tpu.memory_space<vmem>>, vector<1x16xi32>,
        %get3A_241 = vector.shape_cast %get3A_240 : vector<1x16xi32> to vector<16xi32>
        %add3A_242 = vector.broadcast %mul3A_17 : i32 to vector<16xi32>
        %add3A_243 = arith.addi %get3A_241, %add3A_242 : vector<16xi32>
        %swap3A_244 = arith.index_cast %scan3A_173 : i32 to index
        %swap3A_245 = arith.constant 96 : index
        %swap3A_246 = tpu.vector_load %arg6[%swap3A_244, %swap3A_245] {strides = array<i32>} : memref<8x128xi32, #tpu.memory_space<vmem>>, vector<1x16xi32>,
        %swap3A_247 = vector.shape_cast %swap3A_246 : vector<1x16xi32> to vector<16xi32>
        %swap3A_248 = vector.shape_cast %add3A_243 : vector<16xi32> to vector<1x16xi32>
        tpu.vector_store %arg6[%swap3A_244, %swap3A_245], %swap3A_248 {strides = array<i32>} : memref<8x128xi32, #tpu.memory_space<vmem>>, vector<1x16xi32>,
        %get3A_249 = arith.index_cast %scan3A_173 : i32 to index
        %get3A_250 = arith.constant 112 : index
        %get3A_251 = tpu.vector_load %arg6[%get3A_249, %get3A_250] {strides = array<i32>} : memref<8x128xi32, #tpu.memory_space<vmem>>, vector<1x16xi32>,
        %get3A_252 = vector.shape_cast %get3A_251 : vector<1x16xi32> to vector<16xi32>
        %add3A_253 = vector.broadcast %mul3A_17 : i32 to vector<16xi32>
        %add3A_254 = arith.addi %get3A_252, %add3A_253 : vector<16xi32>
        %swap3A_255 = arith.index_cast %scan3A_173 : i32 to index
        %swap3A_256 = arith.constant 112 : index
        %swap3A_257 = tpu.vector_load %arg6[%swap3A_255, %swap3A_256] {strides = array<i32>} : memref<8x128xi32, #tpu.memory_space<vmem>>, vector<1x16xi32>,
        %swap3A_258 = vector.shape_cast %swap3A_257 : vector<1x16xi32> to vector<16xi32>
        %swap3A_259 = vector.shape_cast %add3A_254 : vector<16xi32> to vector<1x16xi32>
        tpu.vector_store %arg6[%swap3A_255, %swap3A_256], %swap3A_259 {strides = array<i32>} : memref<8x128xi32, #tpu.memory_space<vmem>>, vector<1x16xi32>,
      }
      %scan3A_55 = arith.constant 8 : i32
      %dma_start3A = arith.constant 0 : i32
      %dma_start3A_56 = arith.constant 0 : i32
      %dma_start3A_57 = tpu.memref_slice %arg6[%dma_start3A, %dma_start3A_56] : memref<8x128xi32, #tpu.memory_space<vmem>> -> memref<1x128xi32, #tpu.memory_space<vmem>>
      %dma_start3A_58 = tpu.memref_squeeze %dma_start3A_57 : memref<1x128xi32, #tpu.memory_space<vmem>> -> memref<128xi32, #tpu.memory_space<vmem>>
      %dma_start3A_59 = arith.constant 0 : i32
      %dma_start3A_60 = arith.constant 0 : i32
      %dma_start3A_61 = tpu.memref_slice %arg4[%dma_start3A_59, %dma_start3A_60] : memref<20000x80xf32, #tpu.memory_space<hbm>> -> memref<20000x80xf32, #tpu.memory_space<hbm>>
      tpu.enqueue_indirect_dma source(%dma_start3A_61 : memref<20000x80xf32, #tpu.memory_space<hbm>>) target(%arg8 : memref<128x80xf32, #tpu.memory_space<vmem>>) offsets(%dma_start3A_58 : memref<128xi32, #tpu.memory_space<vmem>>) semaphore(%arg11 : memref<!tpu.dma_semaphore, #tpu.memory_space<semaphore_mem>>)
      %dma_start3A_62 = arith.constant 1 : i32
      %dma_start3A_63 = arith.constant 0 : i32
      %dma_start3A_64 = tpu.memref_slice %arg6[%dma_start3A_62, %dma_start3A_63] : memref<8x128xi32, #tpu.memory_space<vmem>> -> memref<1x128xi32, #tpu.memory_space<vmem>>
      %dma_start3A_65 = tpu.memref_squeeze %dma_start3A_64 : memref<1x128xi32, #tpu.memory_space<vmem>> -> memref<128xi32, #tpu.memory_space<vmem>>
      %dma_start3A_66 = arith.constant 0 : i32
      %dma_start3A_67 = arith.constant 0 : i32
      %dma_start3A_68 = tpu.memref_slice %arg4[%dma_start3A_66, %dma_start3A_67] : memref<20000x80xf32, #tpu.memory_space<hbm>> -> memref<20000x80xf32, #tpu.memory_space<hbm>>
      tpu.enqueue_indirect_dma source(%dma_start3A_68 : memref<20000x80xf32, #tpu.memory_space<hbm>>) target(%arg9 : memref<128x80xf32, #tpu.memory_space<vmem>>) offsets(%dma_start3A_65 : memref<128xi32, #tpu.memory_space<vmem>>) semaphore(%arg12 : memref<!tpu.dma_semaphore, #tpu.memory_space<semaphore_mem>>)
      %dma_wait3A = arith.constant 0 : i32
      %dma_wait3A_69 = arith.constant 0 : i32
      %dma_wait3A_70 = tpu.memref_slice %arg6[%dma_wait3A, %dma_wait3A_69] : memref<8x128xi32, #tpu.memory_space<vmem>> -> memref<1x128xi32, #tpu.memory_space<vmem>>
      %dma_wait3A_71 = tpu.memref_squeeze %dma_wait3A_70 : memref<1x128xi32, #tpu.memory_space<vmem>> -> memref<128xi32, #tpu.memory_space<vmem>>
      %dma_wait3A_72 = arith.constant 0 : i32
      %dma_wait3A_73 = arith.constant 0 : i32
      %dma_wait3A_74 = tpu.memref_slice %arg4[%dma_wait3A_72, %dma_wait3A_73] : memref<20000x80xf32, #tpu.memory_space<hbm>> -> memref<20000x80xf32, #tpu.memory_space<hbm>>
      tpu.wait_indirect_dma semaphore(%arg11 : memref<!tpu.dma_semaphore, #tpu.memory_space<semaphore_mem>>) src(%dma_wait3A_74 : memref<20000x80xf32, #tpu.memory_space<hbm>>) dst(%arg8 : memref<128x80xf32, #tpu.memory_space<vmem>>)
      %run_scoped3A = arith.constant 0 : i32
      "tpu.region"() ({
        %run_scoped3A_173 = tpu.sem_alloc : memref<!tpu.dma_semaphore, #tpu.memory_space<semaphore_mem>>
        %dma_start3A_174 = arith.constant 0 : i32
        %dma_start3A_175 = tpu.memref_slice %arg7[%run_scoped3A, %dma_start3A_174] : memref<8x128xi32, #tpu.memory_space<vmem>> -> memref<1x128xi32, #tpu.memory_space<vmem>>
        %dma_start3A_176 = tpu.memref_squeeze %dma_start3A_175 : memref<1x128xi32, #tpu.memory_space<vmem>> -> memref<128xi32, #tpu.memory_space<vmem>>
        %dma_start3A_177 = arith.constant 0 : i32
        %dma_start3A_178 = arith.constant 0 : i32
        %dma_start3A_179 = tpu.memref_slice %arg10[%dma_start3A_177, %dma_start3A_178] : memref<10240x80xf32, #tpu.memory_space<vmem_shared>> -> memref<10240x80xf32, #tpu.memory_space<vmem_shared>>
        tpu.enqueue_indirect_dma source(%arg8 : memref<128x80xf32, #tpu.memory_space<vmem>>) target(%dma_start3A_179 : memref<10240x80xf32, #tpu.memory_space<vmem_shared>>) offsets(%dma_start3A_176 : memref<128xi32, #tpu.memory_space<vmem>>) semaphore(%run_scoped3A_173 : memref<!tpu.dma_semaphore, #tpu.memory_space<semaphore_mem>>) {add = true}
        %dma_wait3A_180 = arith.constant 0 : i32
        %dma_wait3A_181 = tpu.memref_slice %arg7[%run_scoped3A, %dma_wait3A_180] : memref<8x128xi32, #tpu.memory_space<vmem>> -> memref<1x128xi32, #tpu.memory_space<vmem>>
        %dma_wait3A_182 = tpu.memref_squeeze %dma_wait3A_181 : memref<1x128xi32, #tpu.memory_space<vmem>> -> memref<128xi32, #tpu.memory_space<vmem>>
        %dma_wait3A_183 = arith.constant 0 : i32
        %dma_wait3A_184 = arith.constant 0 : i32
        %dma_wait3A_185 = tpu.memref_slice %arg10[%dma_wait3A_183, %dma_wait3A_184] : memref<10240x80xf32, #tpu.memory_space<vmem_shared>> -> memref<10240x80xf32, #tpu.memory_space<vmem_shared>>
        tpu.wait_indirect_dma semaphore(%run_scoped3A_173 : memref<!tpu.dma_semaphore, #tpu.memory_space<semaphore_mem>>) src(%arg8 : memref<128x80xf32, #tpu.memory_space<vmem>>) dst(%dma_wait3A_185 : memref<10240x80xf32, #tpu.memory_space<vmem_shared>>)
        tpu.yield
      }) : () -> ()
      %dma_start3A_75 = arith.constant 2 : i32
      %dma_start3A_76 = arith.constant 0 : i32
      %dma_start3A_77 = tpu.memref_slice %arg6[%dma_start3A_75, %dma_start3A_76] : memref<8x128xi32, #tpu.memory_space<vmem>> -> memref<1x128xi32, #tpu.memory_space<vmem>>
      %dma_start3A_78 = tpu.memref_squeeze %dma_start3A_77 : memref<1x128xi32, #tpu.memory_space<vmem>> -> memref<128xi32, #tpu.memory_space<vmem>>
      %dma_start3A_79 = arith.constant 0 : i32
      %dma_start3A_80 = arith.constant 0 : i32
      %dma_start3A_81 = tpu.memref_slice %arg4[%dma_start3A_79, %dma_start3A_80] : memref<20000x80xf32, #tpu.memory_space<hbm>> -> memref<20000x80xf32, #tpu.memory_space<hbm>>
      tpu.enqueue_indirect_dma source(%dma_start3A_81 : memref<20000x80xf32, #tpu.memory_space<hbm>>) target(%arg8 : memref<128x80xf32, #tpu.memory_space<vmem>>) offsets(%dma_start3A_78 : memref<128xi32, #tpu.memory_space<vmem>>) semaphore(%arg11 : memref<!tpu.dma_semaphore, #tpu.memory_space<semaphore_mem>>)
      %dma_wait3A_82 = arith.constant 1 : i32
      %dma_wait3A_83 = arith.constant 0 : i32
      %dma_wait3A_84 = tpu.memref_slice %arg6[%dma_wait3A_82, %dma_wait3A_83] : memref<8x128xi32, #tpu.memory_space<vmem>> -> memref<1x128xi32, #tpu.memory_space<vmem>>
      %dma_wait3A_85 = tpu.memref_squeeze %dma_wait3A_84 : memref<1x128xi32, #tpu.memory_space<vmem>> -> memref<128xi32, #tpu.memory_space<vmem>>
      %dma_wait3A_86 = arith.constant 0 : i32
      %dma_wait3A_87 = arith.constant 0 : i32
      %dma_wait3A_88 = tpu.memref_slice %arg4[%dma_wait3A_86, %dma_wait3A_87] : memref<20000x80xf32, #tpu.memory_space<hbm>> -> memref<20000x80xf32, #tpu.memory_space<hbm>>
      tpu.wait_indirect_dma semaphore(%arg12 : memref<!tpu.dma_semaphore, #tpu.memory_space<semaphore_mem>>) src(%dma_wait3A_88 : memref<20000x80xf32, #tpu.memory_space<hbm>>) dst(%arg9 : memref<128x80xf32, #tpu.memory_space<vmem>>)
      %run_scoped3A_89 = arith.constant 1 : i32
      "tpu.region"() ({
        %run_scoped3A_173 = tpu.sem_alloc : memref<!tpu.dma_semaphore, #tpu.memory_space<semaphore_mem>>
        %dma_start3A_174 = arith.constant 0 : i32
        %dma_start3A_175 = tpu.memref_slice %arg7[%run_scoped3A_89, %dma_start3A_174] : memref<8x128xi32, #tpu.memory_space<vmem>> -> memref<1x128xi32, #tpu.memory_space<vmem>>
        %dma_start3A_176 = tpu.memref_squeeze %dma_start3A_175 : memref<1x128xi32, #tpu.memory_space<vmem>> -> memref<128xi32, #tpu.memory_space<vmem>>
        %dma_start3A_177 = arith.constant 0 : i32
        %dma_start3A_178 = arith.constant 0 : i32
        %dma_start3A_179 = tpu.memref_slice %arg10[%dma_start3A_177, %dma_start3A_178] : memref<10240x80xf32, #tpu.memory_space<vmem_shared>> -> memref<10240x80xf32, #tpu.memory_space<vmem_shared>>
        tpu.enqueue_indirect_dma source(%arg9 : memref<128x80xf32, #tpu.memory_space<vmem>>) target(%dma_start3A_179 : memref<10240x80xf32, #tpu.memory_space<vmem_shared>>) offsets(%dma_start3A_176 : memref<128xi32, #tpu.memory_space<vmem>>) semaphore(%run_scoped3A_173 : memref<!tpu.dma_semaphore, #tpu.memory_space<semaphore_mem>>) {add = true}
        %dma_wait3A_180 = arith.constant 0 : i32
        %dma_wait3A_181 = tpu.memref_slice %arg7[%run_scoped3A_89, %dma_wait3A_180] : memref<8x128xi32, #tpu.memory_space<vmem>> -> memref<1x128xi32, #tpu.memory_space<vmem>>
        %dma_wait3A_182 = tpu.memref_squeeze %dma_wait3A_181 : memref<1x128xi32, #tpu.memory_space<vmem>> -> memref<128xi32, #tpu.memory_space<vmem>>
        %dma_wait3A_183 = arith.constant 0 : i32
        %dma_wait3A_184 = arith.constant 0 : i32
        %dma_wait3A_185 = tpu.memref_slice %arg10[%dma_wait3A_183, %dma_wait3A_184] : memref<10240x80xf32, #tpu.memory_space<vmem_shared>> -> memref<10240x80xf32, #tpu.memory_space<vmem_shared>>
        tpu.wait_indirect_dma semaphore(%run_scoped3A_173 : memref<!tpu.dma_semaphore, #tpu.memory_space<semaphore_mem>>) src(%arg9 : memref<128x80xf32, #tpu.memory_space<vmem>>) dst(%dma_wait3A_185 : memref<10240x80xf32, #tpu.memory_space<vmem_shared>>)
        tpu.yield
      }) : () -> ()
      %dma_start3A_90 = arith.constant 3 : i32
      %dma_start3A_91 = arith.constant 0 : i32
      %dma_start3A_92 = tpu.memref_slice %arg6[%dma_start3A_90, %dma_start3A_91] : memref<8x128xi32, #tpu.memory_space<vmem>> -> memref<1x128xi32, #tpu.memory_space<vmem>>
      %dma_start3A_93 = tpu.memref_squeeze %dma_start3A_92 : memref<1x128xi32, #tpu.memory_space<vmem>> -> memref<128xi32, #tpu.memory_space<vmem>>
      %dma_start3A_94 = arith.constant 0 : i32
      %dma_start3A_95 = arith.constant 0 : i32
      %dma_start3A_96 = tpu.memref_slice %arg4[%dma_start3A_94, %dma_start3A_95] : memref<20000x80xf32, #tpu.memory_space<hbm>> -> memref<20000x80xf32, #tpu.memory_space<hbm>>
      tpu.enqueue_indirect_dma source(%dma_start3A_96 : memref<20000x80xf32, #tpu.memory_space<hbm>>) target(%arg9 : memref<128x80xf32, #tpu.memory_space<vmem>>) offsets(%dma_start3A_93 : memref<128xi32, #tpu.memory_space<vmem>>) semaphore(%arg12 : memref<!tpu.dma_semaphore, #tpu.memory_space<semaphore_mem>>)
      %dma_wait3A_97 = arith.constant 2 : i32
      %dma_wait3A_98 = arith.constant 0 : i32
      %dma_wait3A_99 = tpu.memref_slice %arg6[%dma_wait3A_97, %dma_wait3A_98] : memref<8x128xi32, #tpu.memory_space<vmem>> -> memref<1x128xi32, #tpu.memory_space<vmem>>
      %dma_wait3A_100 = tpu.memref_squeeze %dma_wait3A_99 : memref<1x128xi32, #tpu.memory_space<vmem>> -> memref<128xi32, #tpu.memory_space<vmem>>
      %dma_wait3A_101 = arith.constant 0 : i32
      %dma_wait3A_102 = arith.constant 0 : i32
      %dma_wait3A_103 = tpu.memref_slice %arg4[%dma_wait3A_101, %dma_wait3A_102] : memref<20000x80xf32, #tpu.memory_space<hbm>> -> memref<20000x80xf32, #tpu.memory_space<hbm>>
      tpu.wait_indirect_dma semaphore(%arg11 : memref<!tpu.dma_semaphore, #tpu.memory_space<semaphore_mem>>) src(%dma_wait3A_103 : memref<20000x80xf32, #tpu.memory_space<hbm>>) dst(%arg8 : memref<128x80xf32, #tpu.memory_space<vmem>>)
      %run_scoped3A_104 = arith.constant 2 : i32
      "tpu.region"() ({
        %run_scoped3A_173 = tpu.sem_alloc : memref<!tpu.dma_semaphore, #tpu.memory_space<semaphore_mem>>
        %dma_start3A_174 = arith.constant 0 : i32
        %dma_start3A_175 = tpu.memref_slice %arg7[%run_scoped3A_104, %dma_start3A_174] : memref<8x128xi32, #tpu.memory_space<vmem>> -> memref<1x128xi32, #tpu.memory_space<vmem>>
        %dma_start3A_176 = tpu.memref_squeeze %dma_start3A_175 : memref<1x128xi32, #tpu.memory_space<vmem>> -> memref<128xi32, #tpu.memory_space<vmem>>
        %dma_start3A_177 = arith.constant 0 : i32
        %dma_start3A_178 = arith.constant 0 : i32
        %dma_start3A_179 = tpu.memref_slice %arg10[%dma_start3A_177, %dma_start3A_178] : memref<10240x80xf32, #tpu.memory_space<vmem_shared>> -> memref<10240x80xf32, #tpu.memory_space<vmem_shared>>
        tpu.enqueue_indirect_dma source(%arg8 : memref<128x80xf32, #tpu.memory_space<vmem>>) target(%dma_start3A_179 : memref<10240x80xf32, #tpu.memory_space<vmem_shared>>) offsets(%dma_start3A_176 : memref<128xi32, #tpu.memory_space<vmem>>) semaphore(%run_scoped3A_173 : memref<!tpu.dma_semaphore, #tpu.memory_space<semaphore_mem>>) {add = true}
        %dma_wait3A_180 = arith.constant 0 : i32
        %dma_wait3A_181 = tpu.memref_slice %arg7[%run_scoped3A_104, %dma_wait3A_180] : memref<8x128xi32, #tpu.memory_space<vmem>> -> memref<1x128xi32, #tpu.memory_space<vmem>>
        %dma_wait3A_182 = tpu.memref_squeeze %dma_wait3A_181 : memref<1x128xi32, #tpu.memory_space<vmem>> -> memref<128xi32, #tpu.memory_space<vmem>>
        %dma_wait3A_183 = arith.constant 0 : i32
        %dma_wait3A_184 = arith.constant 0 : i32
        %dma_wait3A_185 = tpu.memref_slice %arg10[%dma_wait3A_183, %dma_wait3A_184] : memref<10240x80xf32, #tpu.memory_space<vmem_shared>> -> memref<10240x80xf32, #tpu.memory_space<vmem_shared>>
        tpu.wait_indirect_dma semaphore(%run_scoped3A_173 : memref<!tpu.dma_semaphore, #tpu.memory_space<semaphore_mem>>) src(%arg8 : memref<128x80xf32, #tpu.memory_space<vmem>>) dst(%dma_wait3A_185 : memref<10240x80xf32, #tpu.memory_space<vmem_shared>>)
        tpu.yield
      }) : () -> ()
      %dma_start3A_105 = arith.constant 4 : i32
      %dma_start3A_106 = arith.constant 0 : i32
      %dma_start3A_107 = tpu.memref_slice %arg6[%dma_start3A_105, %dma_start3A_106] : memref<8x128xi32, #tpu.memory_space<vmem>> -> memref<1x128xi32, #tpu.memory_space<vmem>>
      %dma_start3A_108 = tpu.memref_squeeze %dma_start3A_107 : memref<1x128xi32, #tpu.memory_space<vmem>> -> memref<128xi32, #tpu.memory_space<vmem>>
      %dma_start3A_109 = arith.constant 0 : i32
      %dma_start3A_110 = arith.constant 0 : i32
      %dma_start3A_111 = tpu.memref_slice %arg4[%dma_start3A_109, %dma_start3A_110] : memref<20000x80xf32, #tpu.memory_space<hbm>> -> memref<20000x80xf32, #tpu.memory_space<hbm>>
      tpu.enqueue_indirect_dma source(%dma_start3A_111 : memref<20000x80xf32, #tpu.memory_space<hbm>>) target(%arg8 : memref<128x80xf32, #tpu.memory_space<vmem>>) offsets(%dma_start3A_108 : memref<128xi32, #tpu.memory_space<vmem>>) semaphore(%arg11 : memref<!tpu.dma_semaphore, #tpu.memory_space<semaphore_mem>>)
      %dma_wait3A_112 = arith.constant 3 : i32
      %dma_wait3A_113 = arith.constant 0 : i32
      %dma_wait3A_114 = tpu.memref_slice %arg6[%dma_wait3A_112, %dma_wait3A_113] : memref<8x128xi32, #tpu.memory_space<vmem>> -> memref<1x128xi32, #tpu.memory_space<vmem>>
      %dma_wait3A_115 = tpu.memref_squeeze %dma_wait3A_114 : memref<1x128xi32, #tpu.memory_space<vmem>> -> memref<128xi32, #tpu.memory_space<vmem>>
      %dma_wait3A_116 = arith.constant 0 : i32
      %dma_wait3A_117 = arith.constant 0 : i32
      %dma_wait3A_118 = tpu.memref_slice %arg4[%dma_wait3A_116, %dma_wait3A_117] : memref<20000x80xf32, #tpu.memory_space<hbm>> -> memref<20000x80xf32, #tpu.memory_space<hbm>>
      tpu.wait_indirect_dma semaphore(%arg12 : memref<!tpu.dma_semaphore, #tpu.memory_space<semaphore_mem>>) src(%dma_wait3A_118 : memref<20000x80xf32, #tpu.memory_space<hbm>>) dst(%arg9 : memref<128x80xf32, #tpu.memory_space<vmem>>)
      %run_scoped3A_119 = arith.constant 3 : i32
      "tpu.region"() ({
        %run_scoped3A_173 = tpu.sem_alloc : memref<!tpu.dma_semaphore, #tpu.memory_space<semaphore_mem>>
        %dma_start3A_174 = arith.constant 0 : i32
        %dma_start3A_175 = tpu.memref_slice %arg7[%run_scoped3A_119, %dma_start3A_174] : memref<8x128xi32, #tpu.memory_space<vmem>> -> memref<1x128xi32, #tpu.memory_space<vmem>>
        %dma_start3A_176 = tpu.memref_squeeze %dma_start3A_175 : memref<1x128xi32, #tpu.memory_space<vmem>> -> memref<128xi32, #tpu.memory_space<vmem>>
        %dma_start3A_177 = arith.constant 0 : i32
        %dma_start3A_178 = arith.constant 0 : i32
        %dma_start3A_179 = tpu.memref_slice %arg10[%dma_start3A_177, %dma_start3A_178] : memref<10240x80xf32, #tpu.memory_space<vmem_shared>> -> memref<10240x80xf32, #tpu.memory_space<vmem_shared>>
        tpu.enqueue_indirect_dma source(%arg9 : memref<128x80xf32, #tpu.memory_space<vmem>>) target(%dma_start3A_179 : memref<10240x80xf32, #tpu.memory_space<vmem_shared>>) offsets(%dma_start3A_176 : memref<128xi32, #tpu.memory_space<vmem>>) semaphore(%run_scoped3A_173 : memref<!tpu.dma_semaphore, #tpu.memory_space<semaphore_mem>>) {add = true}
        %dma_wait3A_180 = arith.constant 0 : i32
        %dma_wait3A_181 = tpu.memref_slice %arg7[%run_scoped3A_119, %dma_wait3A_180] : memref<8x128xi32, #tpu.memory_space<vmem>> -> memref<1x128xi32, #tpu.memory_space<vmem>>
        %dma_wait3A_182 = tpu.memref_squeeze %dma_wait3A_181 : memref<1x128xi32, #tpu.memory_space<vmem>> -> memref<128xi32, #tpu.memory_space<vmem>>
        %dma_wait3A_183 = arith.constant 0 : i32
        %dma_wait3A_184 = arith.constant 0 : i32
        %dma_wait3A_185 = tpu.memref_slice %arg10[%dma_wait3A_183, %dma_wait3A_184] : memref<10240x80xf32, #tpu.memory_space<vmem_shared>> -> memref<10240x80xf32, #tpu.memory_space<vmem_shared>>
        tpu.wait_indirect_dma semaphore(%run_scoped3A_173 : memref<!tpu.dma_semaphore, #tpu.memory_space<semaphore_mem>>) src(%arg9 : memref<128x80xf32, #tpu.memory_space<vmem>>) dst(%dma_wait3A_185 : memref<10240x80xf32, #tpu.memory_space<vmem_shared>>)
        tpu.yield
      }) : () -> ()
      %dma_start3A_120 = arith.constant 5 : i32
      %dma_start3A_121 = arith.constant 0 : i32
      %dma_start3A_122 = tpu.memref_slice %arg6[%dma_start3A_120, %dma_start3A_121] : memref<8x128xi32, #tpu.memory_space<vmem>> -> memref<1x128xi32, #tpu.memory_space<vmem>>
      %dma_start3A_123 = tpu.memref_squeeze %dma_start3A_122 : memref<1x128xi32, #tpu.memory_space<vmem>> -> memref<128xi32, #tpu.memory_space<vmem>>
      %dma_start3A_124 = arith.constant 0 : i32
      %dma_start3A_125 = arith.constant 0 : i32
      %dma_start3A_126 = tpu.memref_slice %arg4[%dma_start3A_124, %dma_start3A_125] : memref<20000x80xf32, #tpu.memory_space<hbm>> -> memref<20000x80xf32, #tpu.memory_space<hbm>>
      tpu.enqueue_indirect_dma source(%dma_start3A_126 : memref<20000x80xf32, #tpu.memory_space<hbm>>) target(%arg9 : memref<128x80xf32, #tpu.memory_space<vmem>>) offsets(%dma_start3A_123 : memref<128xi32, #tpu.memory_space<vmem>>) semaphore(%arg12 : memref<!tpu.dma_semaphore, #tpu.memory_space<semaphore_mem>>)
      %dma_wait3A_127 = arith.constant 4 : i32
      %dma_wait3A_128 = arith.constant 0 : i32
      %dma_wait3A_129 = tpu.memref_slice %arg6[%dma_wait3A_127, %dma_wait3A_128] : memref<8x128xi32, #tpu.memory_space<vmem>> -> memref<1x128xi32, #tpu.memory_space<vmem>>
      %dma_wait3A_130 = tpu.memref_squeeze %dma_wait3A_129 : memref<1x128xi32, #tpu.memory_space<vmem>> -> memref<128xi32, #tpu.memory_space<vmem>>
      %dma_wait3A_131 = arith.constant 0 : i32
      %dma_wait3A_132 = arith.constant 0 : i32
      %dma_wait3A_133 = tpu.memref_slice %arg4[%dma_wait3A_131, %dma_wait3A_132] : memref<20000x80xf32, #tpu.memory_space<hbm>> -> memref<20000x80xf32, #tpu.memory_space<hbm>>
      tpu.wait_indirect_dma semaphore(%arg11 : memref<!tpu.dma_semaphore, #tpu.memory_space<semaphore_mem>>) src(%dma_wait3A_133 : memref<20000x80xf32, #tpu.memory_space<hbm>>) dst(%arg8 : memref<128x80xf32, #tpu.memory_space<vmem>>)
      %run_scoped3A_134 = arith.constant 4 : i32
      "tpu.region"() ({
        %run_scoped3A_173 = tpu.sem_alloc : memref<!tpu.dma_semaphore, #tpu.memory_space<semaphore_mem>>
        %dma_start3A_174 = arith.constant 0 : i32
        %dma_start3A_175 = tpu.memref_slice %arg7[%run_scoped3A_134, %dma_start3A_174] : memref<8x128xi32, #tpu.memory_space<vmem>> -> memref<1x128xi32, #tpu.memory_space<vmem>>
        %dma_start3A_176 = tpu.memref_squeeze %dma_start3A_175 : memref<1x128xi32, #tpu.memory_space<vmem>> -> memref<128xi32, #tpu.memory_space<vmem>>
        %dma_start3A_177 = arith.constant 0 : i32
        %dma_start3A_178 = arith.constant 0 : i32
        %dma_start3A_179 = tpu.memref_slice %arg10[%dma_start3A_177, %dma_start3A_178] : memref<10240x80xf32, #tpu.memory_space<vmem_shared>> -> memref<10240x80xf32, #tpu.memory_space<vmem_shared>>
        tpu.enqueue_indirect_dma source(%arg8 : memref<128x80xf32, #tpu.memory_space<vmem>>) target(%dma_start3A_179 : memref<10240x80xf32, #tpu.memory_space<vmem_shared>>) offsets(%dma_start3A_176 : memref<128xi32, #tpu.memory_space<vmem>>) semaphore(%run_scoped3A_173 : memref<!tpu.dma_semaphore, #tpu.memory_space<semaphore_mem>>) {add = true}
        %dma_wait3A_180 = arith.constant 0 : i32
        %dma_wait3A_181 = tpu.memref_slice %arg7[%run_scoped3A_134, %dma_wait3A_180] : memref<8x128xi32, #tpu.memory_space<vmem>> -> memref<1x128xi32, #tpu.memory_space<vmem>>
        %dma_wait3A_182 = tpu.memref_squeeze %dma_wait3A_181 : memref<1x128xi32, #tpu.memory_space<vmem>> -> memref<128xi32, #tpu.memory_space<vmem>>
        %dma_wait3A_183 = arith.constant 0 : i32
        %dma_wait3A_184 = arith.constant 0 : i32
        %dma_wait3A_185 = tpu.memref_slice %arg10[%dma_wait3A_183, %dma_wait3A_184] : memref<10240x80xf32, #tpu.memory_space<vmem_shared>> -> memref<10240x80xf32, #tpu.memory_space<vmem_shared>>
        tpu.wait_indirect_dma semaphore(%run_scoped3A_173 : memref<!tpu.dma_semaphore, #tpu.memory_space<semaphore_mem>>) src(%arg8 : memref<128x80xf32, #tpu.memory_space<vmem>>) dst(%dma_wait3A_185 : memref<10240x80xf32, #tpu.memory_space<vmem_shared>>)
        tpu.yield
      }) : () -> ()
      %dma_start3A_135 = arith.constant 6 : i32
      %dma_start3A_136 = arith.constant 0 : i32
      %dma_start3A_137 = tpu.memref_slice %arg6[%dma_start3A_135, %dma_start3A_136] : memref<8x128xi32, #tpu.memory_space<vmem>> -> memref<1x128xi32, #tpu.memory_space<vmem>>
      %dma_start3A_138 = tpu.memref_squeeze %dma_start3A_137 : memref<1x128xi32, #tpu.memory_space<vmem>> -> memref<128xi32, #tpu.memory_space<vmem>>
      %dma_start3A_139 = arith.constant 0 : i32
      %dma_start3A_140 = arith.constant 0 : i32
      %dma_start3A_141 = tpu.memref_slice %arg4[%dma_start3A_139, %dma_start3A_140] : memref<20000x80xf32, #tpu.memory_space<hbm>> -> memref<20000x80xf32, #tpu.memory_space<hbm>>
      tpu.enqueue_indirect_dma source(%dma_start3A_141 : memref<20000x80xf32, #tpu.memory_space<hbm>>) target(%arg8 : memref<128x80xf32, #tpu.memory_space<vmem>>) offsets(%dma_start3A_138 : memref<128xi32, #tpu.memory_space<vmem>>) semaphore(%arg11 : memref<!tpu.dma_semaphore, #tpu.memory_space<semaphore_mem>>)
      %dma_wait3A_142 = arith.constant 5 : i32
      %dma_wait3A_143 = arith.constant 0 : i32
      %dma_wait3A_144 = tpu.memref_slice %arg6[%dma_wait3A_142, %dma_wait3A_143] : memref<8x128xi32, #tpu.memory_space<vmem>> -> memref<1x128xi32, #tpu.memory_space<vmem>>
      %dma_wait3A_145 = tpu.memref_squeeze %dma_wait3A_144 : memref<1x128xi32, #tpu.memory_space<vmem>> -> memref<128xi32, #tpu.memory_space<vmem>>
      %dma_wait3A_146 = arith.constant 0 : i32
      %dma_wait3A_147 = arith.constant 0 : i32
      %dma_wait3A_148 = tpu.memref_slice %arg4[%dma_wait3A_146, %dma_wait3A_147] : memref<20000x80xf32, #tpu.memory_space<hbm>> -> memref<20000x80xf32, #tpu.memory_space<hbm>>
      tpu.wait_indirect_dma semaphore(%arg12 : memref<!tpu.dma_semaphore, #tpu.memory_space<semaphore_mem>>) src(%dma_wait3A_148 : memref<20000x80xf32, #tpu.memory_space<hbm>>) dst(%arg9 : memref<128x80xf32, #tpu.memory_space<vmem>>)
      %run_scoped3A_149 = arith.constant 5 : i32
      "tpu.region"() ({
        %run_scoped3A_173 = tpu.sem_alloc : memref<!tpu.dma_semaphore, #tpu.memory_space<semaphore_mem>>
        %dma_start3A_174 = arith.constant 0 : i32
        %dma_start3A_175 = tpu.memref_slice %arg7[%run_scoped3A_149, %dma_start3A_174] : memref<8x128xi32, #tpu.memory_space<vmem>> -> memref<1x128xi32, #tpu.memory_space<vmem>>
        %dma_start3A_176 = tpu.memref_squeeze %dma_start3A_175 : memref<1x128xi32, #tpu.memory_space<vmem>> -> memref<128xi32, #tpu.memory_space<vmem>>
        %dma_start3A_177 = arith.constant 0 : i32
        %dma_start3A_178 = arith.constant 0 : i32
        %dma_start3A_179 = tpu.memref_slice %arg10[%dma_start3A_177, %dma_start3A_178] : memref<10240x80xf32, #tpu.memory_space<vmem_shared>> -> memref<10240x80xf32, #tpu.memory_space<vmem_shared>>
        tpu.enqueue_indirect_dma source(%arg9 : memref<128x80xf32, #tpu.memory_space<vmem>>) target(%dma_start3A_179 : memref<10240x80xf32, #tpu.memory_space<vmem_shared>>) offsets(%dma_start3A_176 : memref<128xi32, #tpu.memory_space<vmem>>) semaphore(%run_scoped3A_173 : memref<!tpu.dma_semaphore, #tpu.memory_space<semaphore_mem>>) {add = true}
        %dma_wait3A_180 = arith.constant 0 : i32
        %dma_wait3A_181 = tpu.memref_slice %arg7[%run_scoped3A_149, %dma_wait3A_180] : memref<8x128xi32, #tpu.memory_space<vmem>> -> memref<1x128xi32, #tpu.memory_space<vmem>>
        %dma_wait3A_182 = tpu.memref_squeeze %dma_wait3A_181 : memref<1x128xi32, #tpu.memory_space<vmem>> -> memref<128xi32, #tpu.memory_space<vmem>>
        %dma_wait3A_183 = arith.constant 0 : i32
        %dma_wait3A_184 = arith.constant 0 : i32
        %dma_wait3A_185 = tpu.memref_slice %arg10[%dma_wait3A_183, %dma_wait3A_184] : memref<10240x80xf32, #tpu.memory_space<vmem_shared>> -> memref<10240x80xf32, #tpu.memory_space<vmem_shared>>
        tpu.wait_indirect_dma semaphore(%run_scoped3A_173 : memref<!tpu.dma_semaphore, #tpu.memory_space<semaphore_mem>>) src(%arg9 : memref<128x80xf32, #tpu.memory_space<vmem>>) dst(%dma_wait3A_185 : memref<10240x80xf32, #tpu.memory_space<vmem_shared>>)
        tpu.yield
      }) : () -> ()
      %dma_start3A_150 = arith.constant 7 : i32
      %dma_start3A_151 = arith.constant 0 : i32
      %dma_start3A_152 = tpu.memref_slice %arg6[%dma_start3A_150, %dma_start3A_151] : memref<8x128xi32, #tpu.memory_space<vmem>> -> memref<1x128xi32, #tpu.memory_space<vmem>>
      %dma_start3A_153 = tpu.memref_squeeze %dma_start3A_152 : memref<1x128xi32, #tpu.memory_space<vmem>> -> memref<128xi32, #tpu.memory_space<vmem>>
      %dma_start3A_154 = arith.constant 0 : i32
      %dma_start3A_155 = arith.constant 0 : i32
      %dma_start3A_156 = tpu.memref_slice %arg4[%dma_start3A_154, %dma_start3A_155] : memref<20000x80xf32, #tpu.memory_space<hbm>> -> memref<20000x80xf32, #tpu.memory_space<hbm>>
      tpu.enqueue_indirect_dma source(%dma_start3A_156 : memref<20000x80xf32, #tpu.memory_space<hbm>>) target(%arg9 : memref<128x80xf32, #tpu.memory_space<vmem>>) offsets(%dma_start3A_153 : memref<128xi32, #tpu.memory_space<vmem>>) semaphore(%arg12 : memref<!tpu.dma_semaphore, #tpu.memory_space<semaphore_mem>>)
      %dma_wait3A_157 = arith.constant 6 : i32
      %dma_wait3A_158 = arith.constant 0 : i32
      %dma_wait3A_159 = tpu.memref_slice %arg6[%dma_wait3A_157, %dma_wait3A_158] : memref<8x128xi32, #tpu.memory_space<vmem>> -> memref<1x128xi32, #tpu.memory_space<vmem>>
      %dma_wait3A_160 = tpu.memref_squeeze %dma_wait3A_159 : memref<1x128xi32, #tpu.memory_space<vmem>> -> memref<128xi32, #tpu.memory_space<vmem>>
      %dma_wait3A_161 = arith.constant 0 : i32
      %dma_wait3A_162 = arith.constant 0 : i32
      %dma_wait3A_163 = tpu.memref_slice %arg4[%dma_wait3A_161, %dma_wait3A_162] : memref<20000x80xf32, #tpu.memory_space<hbm>> -> memref<20000x80xf32, #tpu.memory_space<hbm>>
      tpu.wait_indirect_dma semaphore(%arg11 : memref<!tpu.dma_semaphore, #tpu.memory_space<semaphore_mem>>) src(%dma_wait3A_163 : memref<20000x80xf32, #tpu.memory_space<hbm>>) dst(%arg8 : memref<128x80xf32, #tpu.memory_space<vmem>>)
      %run_scoped3A_164 = arith.constant 6 : i32
      "tpu.region"() ({
        %run_scoped3A_173 = tpu.sem_alloc : memref<!tpu.dma_semaphore, #tpu.memory_space<semaphore_mem>>
        %dma_start3A_174 = arith.constant 0 : i32
        %dma_start3A_175 = tpu.memref_slice %arg7[%run_scoped3A_164, %dma_start3A_174] : memref<8x128xi32, #tpu.memory_space<vmem>> -> memref<1x128xi32, #tpu.memory_space<vmem>>
        %dma_start3A_176 = tpu.memref_squeeze %dma_start3A_175 : memref<1x128xi32, #tpu.memory_space<vmem>> -> memref<128xi32, #tpu.memory_space<vmem>>
        %dma_start3A_177 = arith.constant 0 : i32
        %dma_start3A_178 = arith.constant 0 : i32
        %dma_start3A_179 = tpu.memref_slice %arg10[%dma_start3A_177, %dma_start3A_178] : memref<10240x80xf32, #tpu.memory_space<vmem_shared>> -> memref<10240x80xf32, #tpu.memory_space<vmem_shared>>
        tpu.enqueue_indirect_dma source(%arg8 : memref<128x80xf32, #tpu.memory_space<vmem>>) target(%dma_start3A_179 : memref<10240x80xf32, #tpu.memory_space<vmem_shared>>) offsets(%dma_start3A_176 : memref<128xi32, #tpu.memory_space<vmem>>) semaphore(%run_scoped3A_173 : memref<!tpu.dma_semaphore, #tpu.memory_space<semaphore_mem>>) {add = true}
        %dma_wait3A_180 = arith.constant 0 : i32
        %dma_wait3A_181 = tpu.memref_slice %arg7[%run_scoped3A_164, %dma_wait3A_180] : memref<8x128xi32, #tpu.memory_space<vmem>> -> memref<1x128xi32, #tpu.memory_space<vmem>>
        %dma_wait3A_182 = tpu.memref_squeeze %dma_wait3A_181 : memref<1x128xi32, #tpu.memory_space<vmem>> -> memref<128xi32, #tpu.memory_space<vmem>>
        %dma_wait3A_183 = arith.constant 0 : i32
        %dma_wait3A_184 = arith.constant 0 : i32
        %dma_wait3A_185 = tpu.memref_slice %arg10[%dma_wait3A_183, %dma_wait3A_184] : memref<10240x80xf32, #tpu.memory_space<vmem_shared>> -> memref<10240x80xf32, #tpu.memory_space<vmem_shared>>
        tpu.wait_indirect_dma semaphore(%run_scoped3A_173 : memref<!tpu.dma_semaphore, #tpu.memory_space<semaphore_mem>>) src(%arg8 : memref<128x80xf32, #tpu.memory_space<vmem>>) dst(%dma_wait3A_185 : memref<10240x80xf32, #tpu.memory_space<vmem_shared>>)
        tpu.yield
      }) : () -> ()
      %dma_wait3A_165 = arith.constant 7 : i32
      %dma_wait3A_166 = arith.constant 0 : i32
      %dma_wait3A_167 = tpu.memref_slice %arg6[%dma_wait3A_165, %dma_wait3A_166] : memref<8x128xi32, #tpu.memory_space<vmem>> -> memref<1x128xi32, #tpu.memory_space<vmem>>
      %dma_wait3A_168 = tpu.memref_squeeze %dma_wait3A_167 : memref<1x128xi32, #tpu.memory_space<vmem>> -> memref<128xi32, #tpu.memory_space<vmem>>
      %dma_wait3A_169 = arith.constant 0 : i32
      %dma_wait3A_170 = arith.constant 0 : i32
      %dma_wait3A_171 = tpu.memref_slice %arg4[%dma_wait3A_169, %dma_wait3A_170] : memref<20000x80xf32, #tpu.memory_space<hbm>> -> memref<20000x80xf32, #tpu.memory_space<hbm>>
      tpu.wait_indirect_dma semaphore(%arg12 : memref<!tpu.dma_semaphore, #tpu.memory_space<semaphore_mem>>) src(%dma_wait3A_171 : memref<20000x80xf32, #tpu.memory_space<hbm>>) dst(%arg9 : memref<128x80xf32, #tpu.memory_space<vmem>>)
      %run_scoped3A_172 = arith.constant 7 : i32
      "tpu.region"() ({
        %run_scoped3A_173 = tpu.sem_alloc : memref<!tpu.dma_semaphore, #tpu.memory_space<semaphore_mem>>
        %dma_start3A_174 = arith.constant 0 : i32
        %dma_start3A_175 = tpu.memref_slice %arg7[%run_scoped3A_172, %dma_start3A_174] : memref<8x128xi32, #tpu.memory_space<vmem>> -> memref<1x128xi32, #tpu.memory_space<vmem>>
        %dma_start3A_176 = tpu.memref_squeeze %dma_start3A_175 : memref<1x128xi32, #tpu.memory_space<vmem>> -> memref<128xi32, #tpu.memory_space<vmem>>
        %dma_start3A_177 = arith.constant 0 : i32
        %dma_start3A_178 = arith.constant 0 : i32
        %dma_start3A_179 = tpu.memref_slice %arg10[%dma_start3A_177, %dma_start3A_178] : memref<10240x80xf32, #tpu.memory_space<vmem_shared>> -> memref<10240x80xf32, #tpu.memory_space<vmem_shared>>
        tpu.enqueue_indirect_dma source(%arg9 : memref<128x80xf32, #tpu.memory_space<vmem>>) target(%dma_start3A_179 : memref<10240x80xf32, #tpu.memory_space<vmem_shared>>) offsets(%dma_start3A_176 : memref<128xi32, #tpu.memory_space<vmem>>) semaphore(%run_scoped3A_173 : memref<!tpu.dma_semaphore, #tpu.memory_space<semaphore_mem>>) {add = true}
        %dma_wait3A_180 = arith.constant 0 : i32
        %dma_wait3A_181 = tpu.memref_slice %arg7[%run_scoped3A_172, %dma_wait3A_180] : memref<8x128xi32, #tpu.memory_space<vmem>> -> memref<1x128xi32, #tpu.memory_space<vmem>>
        %dma_wait3A_182 = tpu.memref_squeeze %dma_wait3A_181 : memref<1x128xi32, #tpu.memory_space<vmem>> -> memref<128xi32, #tpu.memory_space<vmem>>
        %dma_wait3A_183 = arith.constant 0 : i32
        %dma_wait3A_184 = arith.constant 0 : i32
        %dma_wait3A_185 = tpu.memref_slice %arg10[%dma_wait3A_183, %dma_wait3A_184] : memref<10240x80xf32, #tpu.memory_space<vmem_shared>> -> memref<10240x80xf32, #tpu.memory_space<vmem_shared>>
        tpu.wait_indirect_dma semaphore(%run_scoped3A_173 : memref<!tpu.dma_semaphore, #tpu.memory_space<semaphore_mem>>) src(%arg9 : memref<128x80xf32, #tpu.memory_space<vmem>>) dst(%dma_wait3A_185 : memref<10240x80xf32, #tpu.memory_space<vmem_shared>>)
        tpu.yield
      }) : () -> ()
    }
    %scan3A_23 = arith.constant 20 : i32
    %barrier3A_24 = arith.constant 0 : index
    tpu.barrier barrier_id(%barrier3A_24)
    %add3A_25 = arith.constant 0 : i32
    %add3A_26 = arith.addi %mul3A_6, %add3A_25 : i32
    "tpu.region"() ({
      %run_scoped3A = tpu.sem_alloc : memref<!tpu.dma_semaphore, #tpu.memory_space<semaphore_mem>>
      %dma_start3A = arith.constant 0 : i32
      %dma_start3A_45 = tpu.memref_slice %arg10[%add3A_26, %dma_start3A] : memref<10240x80xf32, #tpu.memory_space<vmem_shared>> -> memref<128x80xf32, #tpu.memory_space<vmem_shared>>
      %dma_start3A_46 = arith.constant 0 : i32
      %dma_start3A_47 = tpu.memref_slice %arg10[%add3A_26, %dma_start3A_46] : memref<10240x80xf32, #tpu.memory_space<vmem_shared>> -> memref<128x80xf32, #tpu.memory_space<vmem_shared>>
      tpu.enqueue_dma source(%dma_start3A_47 : memref<128x80xf32, #tpu.memory_space<vmem_shared>>) target(%arg8 : memref<128x80xf32, #tpu.memory_space<vmem>>) target_semaphore(%run_scoped3A : memref<!tpu.dma_semaphore, #tpu.memory_space<semaphore_mem>>)
      %dma_wait3A = arith.constant 0 : i32
      %dma_wait3A_48 = tpu.memref_slice %arg10[%add3A_26, %dma_wait3A] : memref<10240x80xf32, #tpu.memory_space<vmem_shared>> -> memref<128x80xf32, #tpu.memory_space<vmem_shared>>
      %dma_wait3A_49 = arith.constant 0 : i32
      %dma_wait3A_50 = tpu.memref_slice %arg10[%add3A_26, %dma_wait3A_49] : memref<10240x80xf32, #tpu.memory_space<vmem_shared>> -> memref<128x80xf32, #tpu.memory_space<vmem_shared>>
      tpu.wait_dma2 semaphore(%run_scoped3A : memref<!tpu.dma_semaphore, #tpu.memory_space<semaphore_mem>>) src(%dma_wait3A_50 : memref<128x80xf32, #tpu.memory_space<vmem_shared>>) dst(%arg8 : memref<128x80xf32, #tpu.memory_space<vmem>>)
      tpu.yield
    }) : () -> ()
    %add3A_27 = arith.constant 0 : i32
    %add3A_28 = arith.addi %mul3A_6, %add3A_27 : i32
    "tpu.region"() ({
      %run_scoped3A = tpu.sem_alloc : memref<!tpu.dma_semaphore, #tpu.memory_space<semaphore_mem>>
      %dma_start3A = arith.constant 0 : i32
      %dma_start3A_45 = tpu.memref_slice %arg5[%arg0, %add3A_28, %dma_start3A] : memref<2x10240x80xf32, #tpu.memory_space<hbm>> -> memref<1x128x80xf32, #tpu.memory_space<hbm>>
      %dma_start3A_46 = tpu.memref_squeeze %dma_start3A_45 : memref<1x128x80xf32, #tpu.memory_space<hbm>> -> memref<128x80xf32, #tpu.memory_space<hbm>>
      %dma_start3A_47 = arith.constant 0 : i32
      %dma_start3A_48 = tpu.memref_slice %arg5[%arg0, %add3A_28, %dma_start3A_47] : memref<2x10240x80xf32, #tpu.memory_space<hbm>> -> memref<1x128x80xf32, #tpu.memory_space<hbm>>
      %dma_start3A_49 = tpu.memref_squeeze %dma_start3A_48 : memref<1x128x80xf32, #tpu.memory_space<hbm>> -> memref<128x80xf32, #tpu.memory_space<hbm>>
      tpu.enqueue_dma source(%arg8 : memref<128x80xf32, #tpu.memory_space<vmem>>) target(%dma_start3A_49 : memref<128x80xf32, #tpu.memory_space<hbm>>) target_semaphore(%run_scoped3A : memref<!tpu.dma_semaphore, #tpu.memory_space<semaphore_mem>>)
      %dma_wait3A = arith.constant 0 : i32
      %dma_wait3A_50 = tpu.memref_slice %arg5[%arg0, %add3A_28, %dma_wait3A] : memref<2x10240x80xf32, #tpu.memory_space<hbm>> -> memref<1x128x80xf32, #tpu.memory_space<hbm>>
      %dma_wait3A_51 = tpu.memref_squeeze %dma_wait3A_50 : memref<1x128x80xf32, #tpu.memory_space<hbm>> -> memref<128x80xf32, #tpu.memory_space<hbm>>
      %dma_wait3A_52 = arith.constant 0 : i32
      %dma_wait3A_53 = tpu.memref_slice %arg5[%arg0, %add3A_28, %dma_wait3A_52] : memref<2x10240x80xf32, #tpu.memory_space<hbm>> -> memref<1x128x80xf32, #tpu.memory_space<hbm>>
      %dma_wait3A_54 = tpu.memref_squeeze %dma_wait3A_53 : memref<1x128x80xf32, #tpu.memory_space<hbm>> -> memref<128x80xf32, #tpu.memory_space<hbm>>
      tpu.wait_dma2 semaphore(%run_scoped3A : memref<!tpu.dma_semaphore, #tpu.memory_space<semaphore_mem>>) src(%arg8 : memref<128x80xf32, #tpu.memory_space<vmem>>) dst(%dma_wait3A_54 : memref<128x80xf32, #tpu.memory_space<hbm>>)
      tpu.yield
    }) : () -> ()
    %add3A_29 = arith.constant 128 : i32
    %add3A_30 = arith.addi %mul3A_6, %add3A_29 : i32
    "tpu.region"() ({
      %run_scoped3A = tpu.sem_alloc : memref<!tpu.dma_semaphore, #tpu.memory_space<semaphore_mem>>
      %dma_start3A = arith.constant 0 : i32
      %dma_start3A_45 = tpu.memref_slice %arg10[%add3A_30, %dma_start3A] : memref<10240x80xf32, #tpu.memory_space<vmem_shared>> -> memref<128x80xf32, #tpu.memory_space<vmem_shared>>
      %dma_start3A_46 = arith.constant 0 : i32
      %dma_start3A_47 = tpu.memref_slice %arg10[%add3A_30, %dma_start3A_46] : memref<10240x80xf32, #tpu.memory_space<vmem_shared>> -> memref<128x80xf32, #tpu.memory_space<vmem_shared>>
      tpu.enqueue_dma source(%dma_start3A_47 : memref<128x80xf32, #tpu.memory_space<vmem_shared>>) target(%arg8 : memref<128x80xf32, #tpu.memory_space<vmem>>) target_semaphore(%run_scoped3A : memref<!tpu.dma_semaphore, #tpu.memory_space<semaphore_mem>>)
      %dma_wait3A = arith.constant 0 : i32
      %dma_wait3A_48 = tpu.memref_slice %arg10[%add3A_30, %dma_wait3A] : memref<10240x80xf32, #tpu.memory_space<vmem_shared>> -> memref<128x80xf32, #tpu.memory_space<vmem_shared>>
      %dma_wait3A_49 = arith.constant 0 : i32
      %dma_wait3A_50 = tpu.memref_slice %arg10[%add3A_30, %dma_wait3A_49] : memref<10240x80xf32, #tpu.memory_space<vmem_shared>> -> memref<128x80xf32, #tpu.memory_space<vmem_shared>>
      tpu.wait_dma2 semaphore(%run_scoped3A : memref<!tpu.dma_semaphore, #tpu.memory_space<semaphore_mem>>) src(%dma_wait3A_50 : memref<128x80xf32, #tpu.memory_space<vmem_shared>>) dst(%arg8 : memref<128x80xf32, #tpu.memory_space<vmem>>)
      tpu.yield
    }) : () -> ()
    %add3A_31 = arith.constant 128 : i32
    %add3A_32 = arith.addi %mul3A_6, %add3A_31 : i32
    "tpu.region"() ({
      %run_scoped3A = tpu.sem_alloc : memref<!tpu.dma_semaphore, #tpu.memory_space<semaphore_mem>>
      %dma_start3A = arith.constant 0 : i32
      %dma_start3A_45 = tpu.memref_slice %arg5[%arg0, %add3A_32, %dma_start3A] : memref<2x10240x80xf32, #tpu.memory_space<hbm>> -> memref<1x128x80xf32, #tpu.memory_space<hbm>>
      %dma_start3A_46 = tpu.memref_squeeze %dma_start3A_45 : memref<1x128x80xf32, #tpu.memory_space<hbm>> -> memref<128x80xf32, #tpu.memory_space<hbm>>
      %dma_start3A_47 = arith.constant 0 : i32
      %dma_start3A_48 = tpu.memref_slice %arg5[%arg0, %add3A_32, %dma_start3A_47] : memref<2x10240x80xf32, #tpu.memory_space<hbm>> -> memref<1x128x80xf32, #tpu.memory_space<hbm>>
      %dma_start3A_49 = tpu.memref_squeeze %dma_start3A_48 : memref<1x128x80xf32, #tpu.memory_space<hbm>> -> memref<128x80xf32, #tpu.memory_space<hbm>>
      tpu.enqueue_dma source(%arg8 : memref<128x80xf32, #tpu.memory_space<vmem>>) target(%dma_start3A_49 : memref<128x80xf32, #tpu.memory_space<hbm>>) target_semaphore(%run_scoped3A : memref<!tpu.dma_semaphore, #tpu.memory_space<semaphore_mem>>)
      %dma_wait3A = arith.constant 0 : i32
      %dma_wait3A_50 = tpu.memref_slice %arg5[%arg0, %add3A_32, %dma_wait3A] : memref<2x10240x80xf32, #tpu.memory_space<hbm>> -> memref<1x128x80xf32, #tpu.memory_space<hbm>>
      %dma_wait3A_51 = tpu.memref_squeeze %dma_wait3A_50 : memref<1x128x80xf32, #tpu.memory_space<hbm>> -> memref<128x80xf32, #tpu.memory_space<hbm>>
      %dma_wait3A_52 = arith.constant 0 : i32
      %dma_wait3A_53 = tpu.memref_slice %arg5[%arg0, %add3A_32, %dma_wait3A_52] : memref<2x10240x80xf32, #tpu.memory_space<hbm>> -> memref<1x128x80xf32, #tpu.memory_space<hbm>>
      %dma_wait3A_54 = tpu.memref_squeeze %dma_wait3A_53 : memref<1x128x80xf32, #tpu.memory_space<hbm>> -> memref<128x80xf32, #tpu.memory_space<hbm>>
      tpu.wait_dma2 semaphore(%run_scoped3A : memref<!tpu.dma_semaphore, #tpu.memory_space<semaphore_mem>>) src(%arg8 : memref<128x80xf32, #tpu.memory_space<vmem>>) dst(%dma_wait3A_54 : memref<128x80xf32, #tpu.memory_space<hbm>>)
      tpu.yield
    }) : () -> ()
    %add3A_33 = arith.constant 256 : i32
    %add3A_34 = arith.addi %mul3A_6, %add3A_33 : i32
    "tpu.region"() ({
      %run_scoped3A = tpu.sem_alloc : memref<!tpu.dma_semaphore, #tpu.memory_space<semaphore_mem>>
      %dma_start3A = arith.constant 0 : i32
      %dma_start3A_45 = tpu.memref_slice %arg10[%add3A_34, %dma_start3A] : memref<10240x80xf32, #tpu.memory_space<vmem_shared>> -> memref<128x80xf32, #tpu.memory_space<vmem_shared>>
      %dma_start3A_46 = arith.constant 0 : i32
      %dma_start3A_47 = tpu.memref_slice %arg10[%add3A_34, %dma_start3A_46] : memref<10240x80xf32, #tpu.memory_space<vmem_shared>> -> memref<128x80xf32, #tpu.memory_space<vmem_shared>>
      tpu.enqueue_dma source(%dma_start3A_47 : memref<128x80xf32, #tpu.memory_space<vmem_shared>>) target(%arg8 : memref<128x80xf32, #tpu.memory_space<vmem>>) target_semaphore(%run_scoped3A : memref<!tpu.dma_semaphore, #tpu.memory_space<semaphore_mem>>)
      %dma_wait3A = arith.constant 0 : i32
      %dma_wait3A_48 = tpu.memref_slice %arg10[%add3A_34, %dma_wait3A] : memref<10240x80xf32, #tpu.memory_space<vmem_shared>> -> memref<128x80xf32, #tpu.memory_space<vmem_shared>>
      %dma_wait3A_49 = arith.constant 0 : i32
      %dma_wait3A_50 = tpu.memref_slice %arg10[%add3A_34, %dma_wait3A_49] : memref<10240x80xf32, #tpu.memory_space<vmem_shared>> -> memref<128x80xf32, #tpu.memory_space<vmem_shared>>
      tpu.wait_dma2 semaphore(%run_scoped3A : memref<!tpu.dma_semaphore, #tpu.memory_space<semaphore_mem>>) src(%dma_wait3A_50 : memref<128x80xf32, #tpu.memory_space<vmem_shared>>) dst(%arg8 : memref<128x80xf32, #tpu.memory_space<vmem>>)
      tpu.yield
    }) : () -> ()
    %add3A_35 = arith.constant 256 : i32
    %add3A_36 = arith.addi %mul3A_6, %add3A_35 : i32
    "tpu.region"() ({
      %run_scoped3A = tpu.sem_alloc : memref<!tpu.dma_semaphore, #tpu.memory_space<semaphore_mem>>
      %dma_start3A = arith.constant 0 : i32
      %dma_start3A_45 = tpu.memref_slice %arg5[%arg0, %add3A_36, %dma_start3A] : memref<2x10240x80xf32, #tpu.memory_space<hbm>> -> memref<1x128x80xf32, #tpu.memory_space<hbm>>
      %dma_start3A_46 = tpu.memref_squeeze %dma_start3A_45 : memref<1x128x80xf32, #tpu.memory_space<hbm>> -> memref<128x80xf32, #tpu.memory_space<hbm>>
      %dma_start3A_47 = arith.constant 0 : i32
      %dma_start3A_48 = tpu.memref_slice %arg5[%arg0, %add3A_36, %dma_start3A_47] : memref<2x10240x80xf32, #tpu.memory_space<hbm>> -> memref<1x128x80xf32, #tpu.memory_space<hbm>>
      %dma_start3A_49 = tpu.memref_squeeze %dma_start3A_48 : memref<1x128x80xf32, #tpu.memory_space<hbm>> -> memref<128x80xf32, #tpu.memory_space<hbm>>
      tpu.enqueue_dma source(%arg8 : memref<128x80xf32, #tpu.memory_space<vmem>>) target(%dma_start3A_49 : memref<128x80xf32, #tpu.memory_space<hbm>>) target_semaphore(%run_scoped3A : memref<!tpu.dma_semaphore, #tpu.memory_space<semaphore_mem>>)
      %dma_wait3A = arith.constant 0 : i32
      %dma_wait3A_50 = tpu.memref_slice %arg5[%arg0, %add3A_36, %dma_wait3A] : memref<2x10240x80xf32, #tpu.memory_space<hbm>> -> memref<1x128x80xf32, #tpu.memory_space<hbm>>
      %dma_wait3A_51 = tpu.memref_squeeze %dma_wait3A_50 : memref<1x128x80xf32, #tpu.memory_space<hbm>> -> memref<128x80xf32, #tpu.memory_space<hbm>>
      %dma_wait3A_52 = arith.constant 0 : i32
      %dma_wait3A_53 = tpu.memref_slice %arg5[%arg0, %add3A_36, %dma_wait3A_52] : memref<2x10240x80xf32, #tpu.memory_space<hbm>> -> memref<1x128x80xf32, #tpu.memory_space<hbm>>
      %dma_wait3A_54 = tpu.memref_squeeze %dma_wait3A_53 : memref<1x128x80xf32, #tpu.memory_space<hbm>> -> memref<128x80xf32, #tpu.memory_space<hbm>>
      tpu.wait_dma2 semaphore(%run_scoped3A : memref<!tpu.dma_semaphore, #tpu.memory_space<semaphore_mem>>) src(%arg8 : memref<128x80xf32, #tpu.memory_space<vmem>>) dst(%dma_wait3A_54 : memref<128x80xf32, #tpu.memory_space<hbm>>)
      tpu.yield
    }) : () -> ()
    %add3A_37 = arith.constant 384 : i32
    %add3A_38 = arith.addi %mul3A_6, %add3A_37 : i32
    "tpu.region"() ({
      %run_scoped3A = tpu.sem_alloc : memref<!tpu.dma_semaphore, #tpu.memory_space<semaphore_mem>>
      %dma_start3A = arith.constant 0 : i32
      %dma_start3A_45 = tpu.memref_slice %arg10[%add3A_38, %dma_start3A] : memref<10240x80xf32, #tpu.memory_space<vmem_shared>> -> memref<128x80xf32, #tpu.memory_space<vmem_shared>>
      %dma_start3A_46 = arith.constant 0 : i32
      %dma_start3A_47 = tpu.memref_slice %arg10[%add3A_38, %dma_start3A_46] : memref<10240x80xf32, #tpu.memory_space<vmem_shared>> -> memref<128x80xf32, #tpu.memory_space<vmem_shared>>
      tpu.enqueue_dma source(%dma_start3A_47 : memref<128x80xf32, #tpu.memory_space<vmem_shared>>) target(%arg8 : memref<128x80xf32, #tpu.memory_space<vmem>>) target_semaphore(%run_scoped3A : memref<!tpu.dma_semaphore, #tpu.memory_space<semaphore_mem>>)
      %dma_wait3A = arith.constant 0 : i32
      %dma_wait3A_48 = tpu.memref_slice %arg10[%add3A_38, %dma_wait3A] : memref<10240x80xf32, #tpu.memory_space<vmem_shared>> -> memref<128x80xf32, #tpu.memory_space<vmem_shared>>
      %dma_wait3A_49 = arith.constant 0 : i32
      %dma_wait3A_50 = tpu.memref_slice %arg10[%add3A_38, %dma_wait3A_49] : memref<10240x80xf32, #tpu.memory_space<vmem_shared>> -> memref<128x80xf32, #tpu.memory_space<vmem_shared>>
      tpu.wait_dma2 semaphore(%run_scoped3A : memref<!tpu.dma_semaphore, #tpu.memory_space<semaphore_mem>>) src(%dma_wait3A_50 : memref<128x80xf32, #tpu.memory_space<vmem_shared>>) dst(%arg8 : memref<128x80xf32, #tpu.memory_space<vmem>>)
      tpu.yield
    }) : () -> ()
    %add3A_39 = arith.constant 384 : i32
    %add3A_40 = arith.addi %mul3A_6, %add3A_39 : i32
    "tpu.region"() ({
      %run_scoped3A = tpu.sem_alloc : memref<!tpu.dma_semaphore, #tpu.memory_space<semaphore_mem>>
      %dma_start3A = arith.constant 0 : i32
      %dma_start3A_45 = tpu.memref_slice %arg5[%arg0, %add3A_40, %dma_start3A] : memref<2x10240x80xf32, #tpu.memory_space<hbm>> -> memref<1x128x80xf32, #tpu.memory_space<hbm>>
      %dma_start3A_46 = tpu.memref_squeeze %dma_start3A_45 : memref<1x128x80xf32, #tpu.memory_space<hbm>> -> memref<128x80xf32, #tpu.memory_space<hbm>>
      %dma_start3A_47 = arith.constant 0 : i32
      %dma_start3A_48 = tpu.memref_slice %arg5[%arg0, %add3A_40, %dma_start3A_47] : memref<2x10240x80xf32, #tpu.memory_space<hbm>> -> memref<1x128x80xf32, #tpu.memory_space<hbm>>
      %dma_start3A_49 = tpu.memref_squeeze %dma_start3A_48 : memref<1x128x80xf32, #tpu.memory_space<hbm>> -> memref<128x80xf32, #tpu.memory_space<hbm>>
      tpu.enqueue_dma source(%arg8 : memref<128x80xf32, #tpu.memory_space<vmem>>) target(%dma_start3A_49 : memref<128x80xf32, #tpu.memory_space<hbm>>) target_semaphore(%run_scoped3A : memref<!tpu.dma_semaphore, #tpu.memory_space<semaphore_mem>>)
      %dma_wait3A = arith.constant 0 : i32
      %dma_wait3A_50 = tpu.memref_slice %arg5[%arg0, %add3A_40, %dma_wait3A] : memref<2x10240x80xf32, #tpu.memory_space<hbm>> -> memref<1x128x80xf32, #tpu.memory_space<hbm>>
      %dma_wait3A_51 = tpu.memref_squeeze %dma_wait3A_50 : memref<1x128x80xf32, #tpu.memory_space<hbm>> -> memref<128x80xf32, #tpu.memory_space<hbm>>
      %dma_wait3A_52 = arith.constant 0 : i32
      %dma_wait3A_53 = tpu.memref_slice %arg5[%arg0, %add3A_40, %dma_wait3A_52] : memref<2x10240x80xf32, #tpu.memory_space<hbm>> -> memref<1x128x80xf32, #tpu.memory_space<hbm>>
      %dma_wait3A_54 = tpu.memref_squeeze %dma_wait3A_53 : memref<1x128x80xf32, #tpu.memory_space<hbm>> -> memref<128x80xf32, #tpu.memory_space<hbm>>
      tpu.wait_dma2 semaphore(%run_scoped3A : memref<!tpu.dma_semaphore, #tpu.memory_space<semaphore_mem>>) src(%arg8 : memref<128x80xf32, #tpu.memory_space<vmem>>) dst(%dma_wait3A_54 : memref<128x80xf32, #tpu.memory_space<hbm>>)
      tpu.yield
    }) : () -> ()
    %add3A_41 = arith.constant 512 : i32
    %add3A_42 = arith.addi %mul3A_6, %add3A_41 : i32
    "tpu.region"() ({
      %run_scoped3A = tpu.sem_alloc : memref<!tpu.dma_semaphore, #tpu.memory_space<semaphore_mem>>
      %dma_start3A = arith.constant 0 : i32
      %dma_start3A_45 = tpu.memref_slice %arg10[%add3A_42, %dma_start3A] : memref<10240x80xf32, #tpu.memory_space<vmem_shared>> -> memref<128x80xf32, #tpu.memory_space<vmem_shared>>
      %dma_start3A_46 = arith.constant 0 : i32
      %dma_start3A_47 = tpu.memref_slice %arg10[%add3A_42, %dma_start3A_46] : memref<10240x80xf32, #tpu.memory_space<vmem_shared>> -> memref<128x80xf32, #tpu.memory_space<vmem_shared>>
      tpu.enqueue_dma source(%dma_start3A_47 : memref<128x80xf32, #tpu.memory_space<vmem_shared>>) target(%arg8 : memref<128x80xf32, #tpu.memory_space<vmem>>) target_semaphore(%run_scoped3A : memref<!tpu.dma_semaphore, #tpu.memory_space<semaphore_mem>>)
      %dma_wait3A = arith.constant 0 : i32
      %dma_wait3A_48 = tpu.memref_slice %arg10[%add3A_42, %dma_wait3A] : memref<10240x80xf32, #tpu.memory_space<vmem_shared>> -> memref<128x80xf32, #tpu.memory_space<vmem_shared>>
      %dma_wait3A_49 = arith.constant 0 : i32
      %dma_wait3A_50 = tpu.memref_slice %arg10[%add3A_42, %dma_wait3A_49] : memref<10240x80xf32, #tpu.memory_space<vmem_shared>> -> memref<128x80xf32, #tpu.memory_space<vmem_shared>>
      tpu.wait_dma2 semaphore(%run_scoped3A : memref<!tpu.dma_semaphore, #tpu.memory_space<semaphore_mem>>) src(%dma_wait3A_50 : memref<128x80xf32, #tpu.memory_space<vmem_shared>>) dst(%arg8 : memref<128x80xf32, #tpu.memory_space<vmem>>)
      tpu.yield
    }) : () -> ()
    %add3A_43 = arith.constant 512 : i32
    %add3A_44 = arith.addi %mul3A_6, %add3A_43 : i32
    "tpu.region"() ({
      %run_scoped3A = tpu.sem_alloc : memref<!tpu.dma_semaphore, #tpu.memory_space<semaphore_mem>>
      %dma_start3A = arith.constant 0 : i32
      %dma_start3A_45 = tpu.memref_slice %arg5[%arg0, %add3A_44, %dma_start3A] : memref<2x10240x80xf32, #tpu.memory_space<hbm>> -> memref<1x128x80xf32, #tpu.memory_space<hbm>>
      %dma_start3A_46 = tpu.memref_squeeze %dma_start3A_45 : memref<1x128x80xf32, #tpu.memory_space<hbm>> -> memref<128x80xf32, #tpu.memory_space<hbm>>
      %dma_start3A_47 = arith.constant 0 : i32
      %dma_start3A_48 = tpu.memref_slice %arg5[%arg0, %add3A_44, %dma_start3A_47] : memref<2x10240x80xf32, #tpu.memory_space<hbm>> -> memref<1x128x80xf32, #tpu.memory_space<hbm>>
      %dma_start3A_49 = tpu.memref_squeeze %dma_start3A_48 : memref<1x128x80xf32, #tpu.memory_space<hbm>> -> memref<128x80xf32, #tpu.memory_space<hbm>>
      tpu.enqueue_dma source(%arg8 : memref<128x80xf32, #tpu.memory_space<vmem>>) target(%dma_start3A_49 : memref<128x80xf32, #tpu.memory_space<hbm>>) target_semaphore(%run_scoped3A : memref<!tpu.dma_semaphore, #tpu.memory_space<semaphore_mem>>)
      %dma_wait3A = arith.constant 0 : i32
      %dma_wait3A_50 = tpu.memref_slice %arg5[%arg0, %add3A_44, %dma_wait3A] : memref<2x10240x80xf32, #tpu.memory_space<hbm>> -> memref<1x128x80xf32, #tpu.memory_space<hbm>>
      %dma_wait3A_51 = tpu.memref_squeeze %dma_wait3A_50 : memref<1x128x80xf32, #tpu.memory_space<hbm>> -> memref<128x80xf32, #tpu.memory_space<hbm>>
      %dma_wait3A_52 = arith.constant 0 : i32
      %dma_wait3A_53 = tpu.memref_slice %arg5[%arg0, %add3A_44, %dma_wait3A_52] : memref<2x10240x80xf32, #tpu.memory_space<hbm>> -> memref<1x128x80xf32, #tpu.memory_space<hbm>>
      %dma_wait3A_54 = tpu.memref_squeeze %dma_wait3A_53 : memref<1x128x80xf32, #tpu.memory_space<hbm>> -> memref<128x80xf32, #tpu.memory_space<hbm>>
      tpu.wait_dma2 semaphore(%run_scoped3A : memref<!tpu.dma_semaphore, #tpu.memory_space<semaphore_mem>>) src(%arg8 : memref<128x80xf32, #tpu.memory_space<vmem>>) dst(%dma_wait3A_54 : memref<128x80xf32, #tpu.memory_space<hbm>>)
      tpu.yield
    }) : () -> ()
    return
  }
}

module attributes {stable_mosaic.version = 14 : i64} {
  func.func @body(%arg0: i32, %arg1: memref<1000x128xf32, #tpu.memory_space<vmem>>, %arg2: memref<1x1000x80xf32, #tpu.memory_space<vmem>>, %arg3: memref<1x1000x80xf32, #tpu.memory_space<vmem>>, %arg4: memref<128x128xf32, #tpu.memory_space<vmem>>, %arg5: memref<128x128xf32, #tpu.memory_space<vmem>>, %arg6: memref<1x128xf32, #tpu.memory_space<vmem>>, %arg7: memref<1000x128xf32, #tpu.memory_space<vmem>>) attributes {dimension_semantics = [#tpu.dimension_semantics<arbitrary>], iteration_bounds = array<i64: 10>, scalar_prefetch = 0 : i64, scratch_operands = 0 : i64, tpu.core_type = #tpu.core_type<tc>, window_params = [{transform_indices = @transform_0, window_bounds = array<i64: 1000, 128>}, {transform_indices = @transform_1, window_bounds = array<i64: 1, 1000, 80>}, {transform_indices = @transform_2, window_bounds = array<i64: 1, 1000, 80>}, {pipeline_mode = #tpu.pipeline_mode<synchronous>, transform_indices = @transform_3, window_bounds = array<i64: 128, 128>}, {pipeline_mode = #tpu.pipeline_mode<synchronous>, transform_indices = @transform_4, window_bounds = array<i64: 128, 128>}, {pipeline_mode = #tpu.pipeline_mode<synchronous>, transform_indices = @transform_5, window_bounds = array<i64: 1, 128>}, {transform_indices = @transform_6, window_bounds = array<i64: 1000, 128>}]} {
    %get3A = arith.constant 0 : index
    %get3A_0 = arith.constant 0 : index
    %get3A_1 = arith.constant 64 : index
    %get3A_2 = vector.load %arg2[%get3A, %get3A_0, %get3A_1] : memref<1x1000x80xf32, #tpu.memory_space<vmem>>, vector<1x1000x1xf32>
    %get3A_3 = vector.shape_cast %get3A_2 : vector<1x1000x1xf32> to vector<1000x1xf32>
    %max3A = arith.constant 1.000000e+00 : f32
    %max3A_4 = vector.broadcast %max3A : f32 to vector<1000x1xf32>
    %max3A_5 = arith.maximumf %get3A_3, %max3A_4 : vector<1000x1xf32>
    %get3A_6 = arith.constant 0 : index
    %get3A_7 = arith.constant 0 : index
    %get3A_8 = arith.constant 0 : index
    %get3A_9 = vector.load %arg2[%get3A_6, %get3A_7, %get3A_8] : memref<1x1000x80xf32, #tpu.memory_space<vmem>>, vector<1x1000x64xf32>
    %get3A_10 = vector.shape_cast %get3A_9 : vector<1x1000x64xf32> to vector<1000x64xf32>
    %get3A_11 = arith.constant 0 : index
    %get3A_12 = arith.constant 0 : index
    %get3A_13 = arith.constant 0 : index
    %get3A_14 = vector.load %arg3[%get3A_11, %get3A_12, %get3A_13] : memref<1x1000x80xf32, #tpu.memory_space<vmem>>, vector<1x1000x64xf32>
    %get3A_15 = vector.shape_cast %get3A_14 : vector<1x1000x64xf32> to vector<1000x64xf32>
    %concatenate3A = tpu.concatenate %get3A_10, %get3A_15 in 1 : vector<1000x64xf32>, vector<1000x64xf32> -> vector<1000x128xf32>
    %div3A = vector.broadcast %max3A_5 : vector<1000x1xf32> to vector<1000x128xf32>
    %div3A_16 = arith.divf %concatenate3A, %div3A : vector<1000x128xf32>
    %get3A_17 = arith.constant 0 : index
    %get3A_18 = arith.constant 0 : index
    %get3A_19 = vector.load %arg1[%get3A_17, %get3A_18] : memref<1000x128xf32, #tpu.memory_space<vmem>>, vector<1000x128xf32>
    %get3A_20 = arith.constant 0 : index
    %get3A_21 = arith.constant 0 : index
    %get3A_22 = vector.load %arg4[%get3A_20, %get3A_21] : memref<128x128xf32, #tpu.memory_space<vmem>>, vector<128x128xf32>
    %dot_general3A = arith.constant dense<0.000000e+00> : vector<1000x128xf32>
    %dot_general3A_23 = tpu.matmul %get3A_19, %get3A_22, %dot_general3A {dimension_numbers = #tpu.dot_dimension_numbers<[1], [0], [0], [1], [0, 0, 1, 1], [], []>, transpose_lhs_hint = false} : vector<1000x128xf32>, vector<128x128xf32>, vector<1000x128xf32> -> vector<1000x128xf32>
    %get3A_24 = arith.constant 0 : index
    %get3A_25 = arith.constant 0 : index
    %get3A_26 = vector.load %arg5[%get3A_24, %get3A_25] : memref<128x128xf32, #tpu.memory_space<vmem>>, vector<128x128xf32>
    %dot_general3A_27 = arith.constant dense<0.000000e+00> : vector<1000x128xf32>
    %dot_general3A_28 = tpu.matmul %div3A_16, %get3A_26, %dot_general3A_27 {dimension_numbers = #tpu.dot_dimension_numbers<[1], [0], [0], [1], [0, 0, 1, 1], [], []>, transpose_lhs_hint = false} : vector<1000x128xf32>, vector<128x128xf32>, vector<1000x128xf32> -> vector<1000x128xf32>
    %add3A = arith.addf %dot_general3A_23, %dot_general3A_28 : vector<1000x128xf32>
    %get3A_29 = arith.constant 0 : index
    %get3A_30 = arith.constant 0 : index
    %get3A_31 = vector.load %arg6[%get3A_29, %get3A_30] : memref<1x128xf32, #tpu.memory_space<vmem>>, vector<1x128xf32>
    %add3A_32 = vector.broadcast %get3A_31 : vector<1x128xf32> to vector<1000x128xf32>
    %add3A_33 = arith.addf %add3A, %add3A_32 : vector<1000x128xf32>
    %max3A_34 = arith.constant 0.000000e+00 : f32
    %max3A_35 = vector.broadcast %max3A_34 : f32 to vector<1000x128xf32>
    %max3A_36 = arith.maximumf %add3A_33, %max3A_35 : vector<1000x128xf32>
    %swap3A = arith.constant 0 : index
    %swap3A_37 = arith.constant 0 : index
    %swap3A_38 = vector.load %arg7[%swap3A, %swap3A_37] : memref<1000x128xf32, #tpu.memory_space<vmem>>, vector<1000x128xf32>
    tpu.vector_store %arg7[%swap3A, %swap3A_37], %max3A_36 {strides = array<i32>} : memref<1000x128xf32, #tpu.memory_space<vmem>>, vector<1000x128xf32>,
    return
  }
  func.func @transform_0(%arg0: i32) -> (i32, i32) {
    %c0_i32 = arith.constant 0 : i32
    %c0_i32_0 = arith.constant 0 : i32
    return %arg0, %c0_i32 : i32, i32
  }
  func.func @transform_1(%arg0: i32) -> (i32, i32, i32) {
    %c0_i32 = arith.constant 0 : i32
    %c0_i32_0 = arith.constant 0 : i32
    %c0_i32_1 = arith.constant 0 : i32
    return %c0_i32, %arg0, %c0_i32_0 : i32, i32, i32
  }
  func.func @transform_2(%arg0: i32) -> (i32, i32, i32) {
    %c1_i32 = arith.constant 1 : i32
    %c0_i32 = arith.constant 0 : i32
    %c0_i32_0 = arith.constant 0 : i32
    return %c1_i32, %arg0, %c0_i32 : i32, i32, i32
  }
  func.func @transform_3(%arg0: i32) -> (i32, i32) {
    %c0_i32 = arith.constant 0 : i32
    %c0_i32_0 = arith.constant 0 : i32
    %c0_i32_1 = arith.constant 0 : i32
    return %c0_i32, %c0_i32_0 : i32, i32
  }
  func.func @transform_4(%arg0: i32) -> (i32, i32) {
    %c0_i32 = arith.constant 0 : i32
    %c0_i32_0 = arith.constant 0 : i32
    %c0_i32_1 = arith.constant 0 : i32
    return %c0_i32, %c0_i32_0 : i32, i32
  }
  func.func @transform_5(%arg0: i32) -> (i32, i32) {
    %c0_i32 = arith.constant 0 : i32
    %c0_i32_0 = arith.constant 0 : i32
    %c0_i32_1 = arith.constant 0 : i32
    return %c0_i32, %c0_i32_0 : i32, i32
  }
  func.func @transform_6(%arg0: i32) -> (i32, i32) {
    %c0_i32 = arith.constant 0 : i32
    %c0_i32_0 = arith.constant 0 : i32
    return %arg0, %c0_i32 : i32, i32
  }
}

</mosaic_0001>

<sc_bundles>
// kernel: kernel.4.cloned.1.call-start
scs
__scs_entry_jumppad:
0x0: {  	(pc) =	sbr.rel $0x88, $3  }
0x1: {  	(tag) =	ssettag $0x0;
	lr =	simm.s32 $0x1  }
0x2: {  	[smem:$0x3F9C] =	sst lr;
	_ =	strace $0xD0000000  }
0x3: {  	_ = 	snop  }
0x4: {  	_ = 	snop  }
0x5: {  	_ = 	snop  }
0x6: {  	_ = 	snop  }
0x7: {  	_ = 	snop  }
__scs_overlays_trampoline_lowered:
0x8: {  	[smem:$0x3FAB] =	sst s0  }
0x9: {  	[smem:$0x3FAC] =	sst s1  }
0xa: {  	[smem:$0x3FAD] =	sst s2  }
0xb: {  	[smem:$0x3FAE] =	sst s3  }
0xc: {  	[smem:$0x3FAF] =	sst s4  }
0xd: {  	[smem:$0x3FB0] =	sst s5  }
0xe: {  	[smem:$0x3FB1] =	sst s6  }
0xf: {  	[smem:$0x3FB2] =	sst s7  }
0x10: {  	[smem:$0x3FB3] =	sst s8  }
0x11: {  	[smem:$0x3FB4] =	sst s9;
	s0 =	simm.s32 @!p0 $0x0  }
0x12: {  	s1 =	sld [smem:$0x3F9A];
	s0 =	simm.s32 @p0 $0x1  }
0x13: {  	[smem:$0x3FB5] =	sst s0;
	s0 =	simm.s32 @!p1 $0x0  }
0x14: {  	s2 =	sld [smem:$0x3F99];
	s0 =	simm.s32 @p1 $0x1  }
0x15: {  	[smem:$0x3FB6] =	sst s0;
	s0 =	simm.s32 @!p2 $0x0  }
0x16: {  	s3 =	sld [smem:$0x3FDB];
	s0 =	simm.s32 @p2 $0x1  }
0x17: {  	s4 =	simm.s32 $0x1BF5;
	[smem:$0x3FB8] =	sst s0  }
0x18: {  	s0 =	sld [smem:$0x3F9B];
	_ =	swait.ge [sflag:s4], $0x0  }
0x19: {  	s7 =	sld [smem:$0x3F9C]  }
0x1a: {  	s8 =	sadd.s32 $0xFFFFE003, lr  }
0x1b: {  	s9 =	sadd.s32 $0xFFFFFEF7, lr;
	s5 =	simm.s32 $0xFFFFFFFF;
	p2 =	slt.u32 s8, $0xFFFFF086  }
0x1c: {  	p1 =	slt.u32 s9, $0xF7A;
	s5 =	simm.s32 @!p2 $0x0  }
0x1d: {  	s5 =	simm.s32 @p1 $0x1;
	p0 =	seq.s32 s7, s2  }
0x1e: {  	s7 =	smul.u32 @!p0 $0xF7A, s2;
	p2 =	seq.s32 @!p0 s5, $0x0  }
0x1f: {  	s9 =	smul.u32 $0xF7A, s1;
	s8 =	simm.s32 @!p0 $0x1BF5;
	p2 =	por !p2, p0  }
0x20: {  	[sflag:s8] =	ssyncset.s32 @!p0 $0xFFFFF086;
	s6 =	sadd.s32 @!p0 s3, s7;
	s7 =	simm.s32 @!p0 $0x108  }
0x21: {  	s3 =	sadd.s32 s3, s9;
	s6 =	sadd.s32 @!p0 $0x88, s6;
	s7 =	simm.s32 @p2 $0x1082  }
0x22: {  	[simem:s7], [sflag:s8] =	dma.local @!p0 [hbm:s6], $0xF7A  }
0x23: {  	s9 =	sor.u32 $0xD0000000, s2;
	s6 =	simm.s32 $0x108;
	_ =	swait.ge @!p0 [sflag:s8], $0x0  }
0x24: {  	s3 =	sadd.s32 $0x88, s3;
	s6 =	simm.s32 @!p1 $0x1082;
	[sflag:s4] =	ssyncset.s32 $0xFFFFF086  }
0x25: {  	[simem:s6], [sflag:s4] =	dma.local [hbm:s3], $0xF7A  }
0x26: {  	[smem:$0x3F9C] =	sst s1;
	(tag) =	ssettag s2;
	_ =	strace s9  }
0x27: {  	s1 =	sld [smem:$0x3FAC]  }
0x28: {  	s2 =	sld [smem:$0x3FAD]  }
0x29: {  	s4 =	sld [smem:$0x3FAF]  }
0x2a: {  	p0 =	seq.s32 s5, $0x0;
	s5 =	sld [smem:$0x3FB0]  }
0x2b: {  	s6 =	sld [smem:$0x3FB1]  }
0x2c: {  	s7 =	sld [smem:$0x3FB2]  }
0x2d: {  	s3 =	simm.s32 $0x108;
	s8 =	sld [smem:$0x3FB3]  }
0x2e: {  	s3 =	simm.s32 @!p0 $0x1082;
	s9 =	sld [smem:$0x3FB4]  }
0x2f: {  	lr =	sadd.s32 s0, s3;
	s0 =	sld [smem:$0x3FAB]  }
0x30: {  	s3 =	sld [smem:$0x3FAE]  }
0x31: {  	[smem:$0x3FB7] =	sst s10  }
0x32: {  	s10 =	sld [smem:$0x3FB5];
	_ =	sdelay $0x3  }
0x33: {  	p0 =	seq.s32 s10, $0x1;
	s10 =	sld [smem:$0x3FB7];
	_ =	sdelay $0x3  }
0x34: {  	[smem:$0x3FB7] =	sst s10  }
0x35: {  	s10 =	sld [smem:$0x3FB6];
	_ =	sdelay $0x3  }
0x36: {  	p1 =	seq.s32 s10, $0x1;
	s10 =	sld [smem:$0x3FB7];
	_ =	sdelay $0x3  }
0x37: {  	[smem:$0x3FB7] =	sst s10  }
0x38: {  	s10 =	sld [smem:$0x3FB8]  }
0x39: {  	_ = 	snop;
	(pc) =	sbr.ind lr, $3  }
0x3a: {  	_ = 	snop  }
0x3b: {  	_ = 	snop  }
0x3c: {  	p2 =	seq.s32 s10, $0x1;
	s10 =	sld [smem:$0x3FB7]  }
0x3d: {  	_ =	shalt  }
0x3e: {  	_ =	shalt  }
0x3f: {  	_ =	shalt  }
0x40: {  	_ =	shalt  }
0x41: {  	_ =	shalt  }
0x42: {  	_ =	shalt  }
0x43: {  	_ =	shalt  }
0x44: {  	_ =	shalt  }
0x45: {  	_ =	shalt  }
0x46: {  	_ =	shalt  }
0x47: {  	_ =	shalt  }
0x48: {  	_ =	shalt  }
0x49: {  	_ =	shalt  }
0x4a: {  	_ =	shalt  }
0x4b: {  	_ =	shalt  }
0x4c: {  	_ =	shalt  }
0x4d: {  	_ =	shalt  }
0x4e: {  	_ =	shalt  }
0x4f: {  	_ =	shalt  }
0x50: {  	_ =	shalt  }
0x51: {  	_ =	shalt  }
0x52: {  	_ =	shalt  }
0x53: {  	_ =	shalt  }
0x54: {  	_ =	shalt  }
0x55: {  	_ =	shalt  }
0x56: {  	_ =	shalt  }
0x57: {  	_ =	shalt  }
0x58: {  	_ =	shalt  }
0x59: {  	_ =	shalt  }
0x5a: {  	_ =	shalt  }
0x5b: {  	_ =	shalt  }
0x5c: {  	_ =	shalt  }
0x5d: {  	_ =	shalt  }
0x5e: {  	_ =	shalt  }
0x5f: {  	_ =	shalt  }
0x60: {  	_ =	shalt  }
0x61: {  	_ =	shalt  }
0x62: {  	_ =	shalt  }
0x63: {  	_ =	shalt  }
0x64: {  	_ =	shalt  }
0x65: {  	_ =	shalt  }
0x66: {  	_ =	shalt  }
0x67: {  	_ =	shalt  }
0x68: {  	_ =	shalt  }
0x69: {  	_ =	shalt  }
0x6a: {  	_ =	shalt  }
0x6b: {  	_ =	shalt  }
0x6c: {  	_ =	shalt  }
0x6d: {  	_ =	shalt  }
0x6e: {  	_ =	shalt  }
0x6f: {  	_ =	shalt  }
0x70: {  	_ =	shalt  }
0x71: {  	_ =	shalt  }
0x72: {  	_ =	shalt  }
0x73: {  	_ =	shalt  }
0x74: {  	_ =	shalt  }
0x75: {  	_ =	shalt  }
0x76: {  	_ =	shalt  }
0x77: {  	_ =	shalt  }
0x78: {  	_ =	shalt  }
0x79: {  	_ =	shalt  }
0x7a: {  	_ =	shalt  }
0x7b: {  	_ =	shalt  }
0x7c: {  	_ =	shalt  }
0x7d: {  	_ =	shalt  }
0x7e: {  	_ =	shalt  }
0x7f: {  	_ =	shalt  }
0x80: {  	_ =	shalt  }
0x81: {  	_ =	shalt  }
0x82: {  	_ =	shalt  }
0x83: {  	_ =	shalt  }
0x84: {  	_ =	shalt  }
0x85: {  	_ =	shalt  }
0x86: {  	_ =	shalt  }
0x87: {  	_ =	shalt  }
.Lfunc_end0:
.L_simem_size_0:
called_computation_lowered:
.L_overlay_start_0:
0x88: {  	s2 =	sld [smem:$0x3FD9]  }
0x89: {  	s3 =	sld [smem:$0x3FFE];
	_ =	sdelay $0x1  }
0x8a: {  	s1 =	srdreg.scid  }
0x8b: {  	s0 =	sand.u32 $0x1, s1  }
0x8c: {  	s17 =	sshll.u32 s0, $0xA;
	s2 =	sadd.s32 s3, s2  }
0x8d: {  	s2 =	sadd.s32 s2, s17  }
0x8e: {  	[smem:$0x3FC3] =	sst s2  }
0x8f: {  	_ = 	snop  }
0x90: {  	s2 =	sld [smem:$0x3FD0];
	(tm) =	ssettm $0x1  }
0x91: {  	s18 =	sld [smem:$0x3FFB];
	_ =	sdelay $0x3  }
0x92: {  	_ =	strace s18  }
0x93: {  	s3 =	sld [smem:$0x3FFC];
	_ =	sdelay $0x3  }
0x94: {  	_ =	strace s3  }
0x95: {  	s3 =	sld [smem:$0x3FFD];
	_ =	sdelay $0x3  }
0x96: {  	_ =	strace s3  }
0x97: {  	_ =	strace $0x8FFFFFFF  }
0x98: {  	s19 =	sld [smem:$0x3FDB];
	_ =	sdelay $0x1  }
0x99: {  	s4 =	simm.s32 $_scs_section_size  }
0x9a: {  	s5 =	simm.s32 $_size__tile_overlayer_lowered;
	s6 =	simm.s32 $_tile_overlayer_lowered  }
0x9b: {  	s22 =	simm.s32 $0x1BFF;
	s21 =	sshll.u32 s6, $0x1;
	s3 =	sadd.s32 s4, s19  }
0x9c: {  	s7 =	simm.s32 $0x0;
	s20 =	sshll.u32 s5, $0x1;
	s5 =	sadd.s32 s21, s3  }
0x9d: {  	[timem:s7], [sflag:s22] =	dma.local [hbm:s5], s20  }
0x9e: {  	_ =	swait.ge [sflag:s22], s20  }
0x9f: {  	s4 =	ssub.s32 $0x0, s20;
	[sflag:s22] =	ssyncset.done $0x0  }
0xa0: {  	[sflag:s22] =	ssyncadd.s32 s4;
	_ =	sdelay $0x1  }
0xa1: {  	s23 =	simm.s32 $0x1B8B  }
0xa2: {  	_ =	swait.ge [sflag:s23], $0x1  }
0xa3: {  	[sflag:s23] =	ssyncset.done $0x0  }
0xa4: {  	s25 =	simm.s32 $0x1B8E;
	s24 =	sld [smem:$0x3FFE];
	[sflag:s23] =	ssyncadd.s32 $0xFFFFFFFF  }
0xa5: {  	s26 =	simm.s32 $execute0_lowered;
	[smem:$0x3FD2] =	sst s25  }
0xa6: {  	s5 =	sshll.u32 s26, $0x1;
	_ =	strace $0x80000046;
	[dreg:$0x1] =	wrdreg $0xFFFFFFFF  }
0xa7: {  	s28 =	simm.s32 $_size_execute0_lowered;
	s3 =	sadd.s32 s3, s5;
	[dreg:$0x0] =	wrdreg $0x0  }
0xa8: {  	s5 =	sshll.u32 s28, $0x1;
	[dreg:$0x2] =	wrdreg s3  }
0xa9: {  	[dreg:$0x3] =	wrdreg s5  }
0xaa: {  	[dreg:$0x4] =	wrdreg $0xC0  }
0xab: {  	_ =	task [dreg:s7], $0x5FFFF  }
0xac: {  	[dreg:$0x1] =	wrdreg $0xFFFFFFFF  }
0xad: {  	[dreg:$0x0] =	wrdreg $0x60  }
0xae: {  	[dreg:$0x2] =	wrdreg s2  }
0xaf: {  	[dreg:$0x3] =	wrdreg s24  }
0xb0: {  	[dreg:$0x4] =	wrdreg $0x58000  }
0xb1: {  	[dreg:$0x5] =	wrdreg $0x9  }
0xb2: {  	_ =	task.clear_ibuf [dreg:s7], $0x6FFFF;
	_ =	strace $0x90000046  }
0xb3: {  	s29 =	simm.s32 $0x9;
	_ =	strace $0x80000048  }
0xb4: {  	_ =	swait.ge [sflag:s29], $0x1  }
0xb5: {  	[sflag:s29] =	ssyncadd.s32 $0xFFFFFFFF  }
0xb6: {  	_ =	strace $0x90000048  }
0xb7: {  	_ =	sfence  }
0xb8: {  	s30 =	sld [smem:$0x0];
	_ =	sdelay $0x2  }
0xb9: {  	s31 =	sshll.u32 s1, $0xD;
	s1 =	sshrl.u32 s1, $0x2  }
0xba: {  	s3 =	sand.u32 $0x4000, s31;
	s1 =	sadd.s32 s1, s30  }
0xbb: {  	s0 =	sor.u32 s3, s0;
	s1 =	sshll.u32 s1, $0x11  }
0xbc: {  	s0 =	sor.u32 s1, s0  }
0xbd: {  	s0 =	sadd.s32 $0x8F2B, s0  }
0xbe: {  	[sflag:s0] =	ssyncadd.remote.s32 $0x1  }
0xbf: {  	_ =	sfence.sel $0xFFFF  }
0xc0: {  	[dreg:$0x0] =	wrdreg $0xFFFFFFFF;
	(pc) =	sbr.abs _section_cstart, $3  }
0xc1: {  	[dreg:$0x1] =	wrdreg $0xFFFFFFFF  }
0xc2: {  	_ =	task.clear_ibuf [dreg:s7], $0x2FFFF;
	_ =	strace $0x9FFFFFFF  }
0xc3: {  	(tm) =	ssettm $0x7FFFFFFF  }
tec
execute0_lowered:
.L_overlay_start_1:
0x0: {  	(tag) =	ssettag $0x1  }
0x1: {  	s1 =	rddreg [dreg:$0x0]  }
0x2: {  	s0 =	rddreg [dreg:$0x1]  }
0x3: {  	s2 =	rddreg [dreg:$0x2];
	s4 =	simm.s32 $0x0  }
0x4: {  	s3 =	srdreg.scid;
	s12 =	stileid.u32;
	s28 =	simm.s32 $0x480  }
0x5: {  	s29 =	simm.s32 $0x180;
	s30 =	simm.s32 $0x500;
	s31 =	simm.s32 $0x200  }
0x6: {  	[smem:$0x7FF] =	sst s4;
	s3 =	sand.u32 $0x1, s3;
	s8 =	smul.u32 $0xC800, s12  }
0x7: {  	s5 =	sadd.s32 $0x31600, s0;
	s6 =	sadd.s32 $0x800, s0;
	s0 =	sadd.s32 $0x3B600, s0  }
0x8: {  	s12 =	smul.u32 $0x5000, s12;
	_ =	strace $0x80000047;
	s7 =	ssub.s32 $0x2, s3  }
0x9: {  	s14 =	smul.u32 $0xC8000, s3;
	s9 =	sshrl.u32 s7, $0x1;
	s24 =	sadd.s32 $0x2800, s8  }
0xa: {  	s10 =	sadd.s32 s8, s2;
	s26 =	sadd.s32 $0x5000, s8;
	s11 =	sadd.s32 $0x7800, s8  }
0xb: {  	s13 =	sadd.s32 $0xA000, s8;
	s7 =	ssub.s32 s7, s9;
	[dreg:$0x4] =	wrdreg s10  }
0xc: {  	s25 =	sadd.s32 s24, s2;
	s15 =	sadd.s32 s26, s2;
	s16 =	sadd.s32 s11, s2  }
0xd: {  	s17 =	sadd.s32 s13, s2;
	s18 =	sadd.s32 s8, s14;
	[dreg:$0x5] =	wrdreg s25  }
0xe: {  	s19 =	sadd.s32 s14, s24;
	s21 =	sadd.s32 s14, s26;
	[dreg:$0x6] =	wrdreg s15  }
0xf: {  	s22 =	sadd.s32 s14, s11;
	s23 =	sadd.s32 s14, s13;
	[dreg:$0x7] =	wrdreg s16  }
0x10: {  	s13 =	simm.s32 $0x600;
	s14 =	simm.s32 $0x300;
	[dreg:$0x8] =	wrdreg s17  }
0x11: {  	s17 =	smul.u32 $0x2710, s3;
	s3 =	sshrl.u32 s18, $0x3;
	s8 =	sshrl.u32 s19, $0x3  }
0x12: {  	s24 =	sshrl.u32 s22, $0x3;
	s25 =	sshrl.u32 s23, $0x3;
	s26 =	smax.u32 s7, $0x1  }
0x13: {  	s19 =	simm.s32 $0x800;
	s22 =	simm.s32 $0x80;
	s23 =	simm.s32 $0x3000  }
0x14: {  	s15 =	simm.s32 $0x680;
	s16 =	simm.s32 $0x380;
	s18 =	simm.s32 $0x780  }
0x15: {  	s3 =	sadd.s32 s0, s3;
	s20 =	sadd.s32 s0, s8;
	[dreg:$0xe] =	wrdreg s26  }
0x16: {  	s26 =	simm.s32 $0x2;
	s8 =	simm.s32 $0x0;
	[dreg:$0x9] =	wrdreg s3  }
0x17: {  	[dreg:$0xa] =	wrdreg s20;
	s3 =	sshrl.u32 s21, $0x3;
	s20 =	simm.s32 $0x3  }
0x18: {  	s21 =	simm.s32 $0x400;
	v0 =	vmov s17;
	s17 =	simm.s32 $0x700;
	s3 =	sadd.s32 s0, s3  }
0x19: {  	[dreg:$0xb] =	wrdreg s3;
	s3 =	sadd.s32 s0, s24;
	s0 =	sadd.s32 s0, s25  }
0x1a: {  	s24 =	simm.s32 $0x1;
	s25 =	simm.s32 $0x100;
	[dreg:$0xc] =	wrdreg s3  }
0x1b: {  	v1 =	vimm.f32 $0.0e+00;
	[dreg:$0xd] =	wrdreg s0;
	s0 =	simm.s32 $0x580;
	s3 =	simm.s32 $0x280  }
.LBB2_1:
0x1c: {  	[dreg:$0xf] =	wrdreg s8;
	s9 =	simm.s32 $0x140;
	s8 =	simm.s32 $0x0  }
.LBB2_2:
0x1d: {  	p0 =	sne.s32 s9, $0x9EC0;
	[tilespmem:s8+$0x840] =	vst v1;
	s10 =	smov.u32 s9;
	s9 =	sadd.s32 $0x140, s9  }
.Ltmp0:
0x1e: {  	[tilespmem:s8+$0x830] =	vst v1;
	(pc) =	sbr.rel @p0 .LBB2_2-.Ltmp0, $4  }
0x1f: {  	[tilespmem:s8+$0x820] =	vst v1  }
0x20: {  	[tilespmem:s8+$0x800] =	vst v1  }
0x21: {  	[tilespmem:s8+$0x810] =	vst v1  }
0x22: {  	s8 =	sshra.s32 s10, $0x2  }
0x23: {  	[tilespmem:s8+$0x840] =	vst v1  }
0x24: {  	[tilespmem:s8+$0x830] =	vst v1  }
0x25: {  	[tilespmem:s8+$0x820] =	vst v1  }
0x26: {  	[tilespmem:s8+$0x800] =	vst v1  }
0x27: {  	[tilespmem:s8+$0x810] =	vst v1;
	s7 =	rddreg [dreg:$0x4]  }
0x28: {  	[spmem:s7] =	stream.linear.scatter [tilespmem:s19], [sflag:$0x3], $0x2800, $0x38;
	[tilespmem:$0x12000] =	vst v63  }
0x29: {  	_ =	swait.ge [sflag:s20], $0x2800  }
0x2a: {  	[sflag:s20] =	ssyncset.done $0x0  }
0x2b: {  	s8 =	rddreg [dreg:$0x5];
	[sflag:s20] =	ssyncadd.s32 $0xFFFFD800  }
0x2c: {  	[spmem:s8] =	stream.linear.scatter [tilespmem:s19], [sflag:$0x3], $0x2800, $0x38;
	[tilespmem:$0x12000] =	vst v63  }
0x2d: {  	_ =	swait.ge [sflag:s20], $0x2800  }
0x2e: {  	[sflag:s20] =	ssyncset.done $0x0  }
0x2f: {  	s9 =	rddreg [dreg:$0x6];
	[sflag:s20] =	ssyncadd.s32 $0xFFFFD800  }
0x30: {  	[spmem:s9] =	stream.linear.scatter [tilespmem:s19], [sflag:$0x3], $0x2800, $0x38;
	[tilespmem:$0x12000] =	vst v63  }
0x31: {  	_ =	swait.ge [sflag:s20], $0x2800  }
0x32: {  	[sflag:s20] =	ssyncset.done $0x0  }
0x33: {  	s10 =	rddreg [dreg:$0x7];
	[sflag:s20] =	ssyncadd.s32 $0xFFFFD800  }
0x34: {  	[spmem:s10] =	stream.linear.scatter [tilespmem:s19], [sflag:$0x3], $0x2800, $0x38;
	[tilespmem:$0x12000] =	vst v63  }
0x35: {  	_ =	swait.ge [sflag:s20], $0x2800  }
0x36: {  	[sflag:s20] =	ssyncset.done $0x0  }
0x37: {  	s11 =	rddreg [dreg:$0x8];
	[sflag:s20] =	ssyncadd.s32 $0xFFFFD800  }
0x38: {  	[spmem:s11] =	stream.linear.scatter [tilespmem:s19], [sflag:$0x3], $0x2800, $0x38;
	[tilespmem:$0x12000] =	vst v63  }
0x39: {  	_ =	swait.ge [sflag:s20], $0x2800  }
0x3a: {  	[sflag:s20] =	ssyncset.done $0x0  }
0x3b: {  	[sflag:s20] =	ssyncadd.s32 $0xFFFFD800  }
0x3c: {  	s8 =	simm.s32 $0x0;
	s9 =	simm.s32 $0x0;
	[bflag:$0x0] =	sbarrier.arrive $0xFFFF  }
.LBB2_4:
0x3d: {  	s10 =	sshll.u32 s9, $0xA  }
0x3e: {  	s10 =	sadd.s32 s12, s10  }
0x3f: {  	s10 =	sshrl.u32 s10, $0x3  }
0x40: {  	s11 =	sadd.s32 s1, s10  }
0x41: {  	[tilespmem:s8], [sflag:$0x3] =	stream.linear.gather [hbm4b:s11+s8], $0x400, $0x38;
	[tilespmem:$0x12000] =	vst v63  }
0x42: {  	_ =	swait.ge [sflag:s20], $0x400  }
0x43: {  	[sflag:s20] =	ssyncset.done $0x0  }
0x44: {  	s10 =	sadd.s32 s5, s10;
	[sflag:s20] =	ssyncadd.s32 $0xFFFFFC00  }
0x45: {  	[tilespmem:s21], [sflag:$0x3] =	stream.linear.gather [hbm4b:s10+s8], $0x400, $0x38;
	[tilespmem:$0x12000] =	vst v63  }
0x46: {  	_ =	swait.ge [sflag:s20], $0x400  }
0x47: {  	[sflag:s20] =	ssyncset.done $0x0  }
0x48: {  	s10 =	simm.s32 $0x0;
	[sflag:s20] =	ssyncadd.s32 $0xFFFFFC00  }
0x49: {  	v4 =	vld [tilespmem:s10+$0x0]  }
0x4a: {  	v6 =	vld [tilespmem:s10+$0x10]  }
0x4b: {  	v5 =	vld [tilespmem:s10+$0x20]  }
0x4c: {  	v3 =	vld [tilespmem:s10+$0x30]  }
0x4d: {  	v2 =	vld [tilespmem:s10+$0x40]  }
0x4e: {  	v7 =	vadd.s32 v0, v4;
	v4 =	vld [tilespmem:s10+$0x50]  }
0x4f: {  	s11 =	simm.s32 $0x200;
	[tilespmem:s10+$0x0] =	vst v7;
	v7 =	vadd.s32 v0, v6;
	v6 =	vld [tilespmem:s10+$0x60]  }
.LBB2_5:
0x50: {  	s7 =	sshra.s32 s11, $0x2;
	p0 =	sne.s32 s11, $0xE00;
	[tilespmem:s10+$0x10] =	vst v7;
	v5 =	vadd.s32 v0, v5;
	v7 =	vld [tilespmem:s10+$0x70]  }
0x51: {  	v8 =	vld [tilespmem:s7+$0x0];
	[tilespmem:s10+$0x20] =	vst v5;
	v3 =	vadd.s32 v0, v3  }
0x52: {  	v9 =	vld [tilespmem:s7+$0x10];
	[tilespmem:s10+$0x30] =	vst v3;
	v2 =	vadd.s32 v0, v2  }
.Ltmp1:
0x53: {  	v5 =	vld [tilespmem:s7+$0x20];
	[tilespmem:s10+$0x40] =	vst v2;
	v2 =	vadd.s32 v0, v4;
	(pc) =	sbr.rel @p0 .LBB2_5-.Ltmp1, $4  }
0x54: {  	v3 =	vld [tilespmem:s7+$0x30];
	[tilespmem:s10+$0x50] =	vst v2;
	v4 =	vadd.s32 v0, v6  }
0x55: {  	v2 =	vld [tilespmem:s7+$0x40];
	[tilespmem:s10+$0x60] =	vst v4;
	v6 =	vadd.s32 v0, v7  }
0x56: {  	v7 =	vadd.s32 v0, v8;
	v4 =	vld [tilespmem:s7+$0x50];
	[tilespmem:s10+$0x70] =	vst v6;
	s10 =	smov.u32 s7  }
0x57: {  	s11 =	sadd.s32 $0x200, s11;
	[tilespmem:s10+$0x0] =	vst v7;
	v7 =	vadd.s32 v0, v9;
	v6 =	vld [tilespmem:s10+$0x60]  }
0x58: {  	[tilespmem:s10+$0x10] =	vst v7;
	v5 =	vadd.s32 v0, v5;
	v63 =	vld [tilespmem:s10+$0x70]  }
0x59: {  	[tilespmem:s10+$0x20] =	vst v5;
	v3 =	vadd.s32 v0, v3  }
0x5a: {  	[tilespmem:s10+$0x30] =	vst v3;
	v2 =	vadd.s32 v0, v2  }
0x5b: {  	[tilespmem:s10+$0x40] =	vst v2;
	v2 =	vadd.s32 v0, v4  }
0x5c: {  	[tilespmem:s10+$0x50] =	vst v2;
	v2 =	vadd.s32 v0, v6  }
0x5d: {  	[tilespmem:s10+$0x60] =	vst v2;
	v2 =	vadd.s32 v0, v63  }
0x5e: {  	[tilespmem:s10+$0x70] =	vst v2  }
0x5f: {  	[tilespmem:s19], [sflag:$0x1] =	stream.indirect.gather [hbm4b:s6+s22], $0x50, s4, s22, $0xb8;
	[tilespmem:$0x12000] =	vst v63  }
0x60: {  	_ = 	snop  }
0x61: {  	[tilespmem:s23], [sflag:$0x2] =	stream.indirect.gather [hbm4b:s6+s22], $0x50, s22, s22, $0xb8;
	[tilespmem:$0x12000] =	vst v63  }
0x62: {  	_ =	swait.ge [sflag:s24], $0x2800  }
0x63: {  	[sflag:s24] =	ssyncset.done $0x0  }
0x64: {  	[sflag:s24] =	ssyncadd.s32 $0xFFFFD800  }
0x65: {  	[spmem:s2] =	stream.indirect.scatter.add.f32 [tilespmem:s19], [sflag:$0x3], $0x50, s21, s22, $0xb8;
	[tilespmem:$0x12000] =	vst v63  }
0x66: {  	_ =	swait.ge [sflag:s20], $0x2800  }
0x67: {  	[sflag:s20] =	ssyncset.done $0x0  }
0x68: {  	[sflag:s20] =	ssyncadd.s32 $0xFFFFD800  }
0x69: {  	[tilespmem:s19], [sflag:$0x1] =	stream.indirect.gather [hbm4b:s6+s22], $0x50, s25, s22, $0xb8;
	[tilespmem:$0x12000] =	vst v63  }
0x6a: {  	_ =	swait.ge [sflag:s26], $0x2800  }
0x6b: {  	[sflag:s26] =	ssyncset.done $0x0  }
0x6c: {  	[sflag:s26] =	ssyncadd.s32 $0xFFFFD800  }
0x6d: {  	[spmem:s2] =	stream.indirect.scatter.add.f32 [tilespmem:s23], [sflag:$0x3], $0x50, s28, s22, $0xb8;
	[tilespmem:$0x12000] =	vst v63  }
0x6e: {  	_ =	swait.ge [sflag:s20], $0x2800  }
0x6f: {  	[sflag:s20] =	ssyncset.done $0x0  }
0x70: {  	[sflag:s20] =	ssyncadd.s32 $0xFFFFD800  }
0x71: {  	[tilespmem:s23], [sflag:$0x2] =	stream.indirect.gather [hbm4b:s6+s22], $0x50, s29, s22, $0xb8;
	[tilespmem:$0x12000] =	vst v63  }
0x72: {  	_ =	swait.ge [sflag:s24], $0x2800  }
0x73: {  	[sflag:s24] =	ssyncset.done $0x0  }
0x74: {  	[sflag:s24] =	ssyncadd.s32 $0xFFFFD800  }
0x75: {  	[spmem:s2] =	stream.indirect.scatter.add.f32 [tilespmem:s19], [sflag:$0x3], $0x50, s30, s22, $0xb8;
	[tilespmem:$0x12000] =	vst v63  }
0x76: {  	_ =	swait.ge [sflag:s20], $0x2800  }
0x77: {  	[sflag:s20] =	ssyncset.done $0x0  }
0x78: {  	[sflag:s20] =	ssyncadd.s32 $0xFFFFD800  }
0x79: {  	[tilespmem:s19], [sflag:$0x1] =	stream.indirect.gather [hbm4b:s6+s22], $0x50, s31, s22, $0xb8;
	[tilespmem:$0x12000] =	vst v63  }
0x7a: {  	_ =	swait.ge [sflag:s26], $0x2800  }
0x7b: {  	[sflag:s26] =	ssyncset.done $0x0  }
0x7c: {  	[sflag:s26] =	ssyncadd.s32 $0xFFFFD800  }
0x7d: {  	[spmem:s2] =	stream.indirect.scatter.add.f32 [tilespmem:s23], [sflag:$0x3], $0x50, s0, s22, $0xb8;
	[tilespmem:$0x12000] =	vst v63  }
0x7e: {  	_ =	swait.ge [sflag:s20], $0x2800  }
0x7f: {  	[sflag:s20] =	ssyncset.done $0x0  }
0x80: {  	[sflag:s20] =	ssyncadd.s32 $0xFFFFD800  }
0x81: {  	[tilespmem:s23], [sflag:$0x2] =	stream.indirect.gather [hbm4b:s6+s22], $0x50, s3, s22, $0xb8;
	[tilespmem:$0x12000] =	vst v63  }
0x82: {  	_ =	swait.ge [sflag:s24], $0x2800  }
0x83: {  	[sflag:s24] =	ssyncset.done $0x0  }
0x84: {  	[sflag:s24] =	ssyncadd.s32 $0xFFFFD800  }
0x85: {  	[spmem:s2] =	stream.indirect.scatter.add.f32 [tilespmem:s19], [sflag:$0x3], $0x50, s13, s22, $0xb8;
	[tilespmem:$0x12000] =	vst v63  }
0x86: {  	_ =	swait.ge [sflag:s20], $0x2800  }
0x87: {  	[sflag:s20] =	ssyncset.done $0x0  }
0x88: {  	[sflag:s20] =	ssyncadd.s32 $0xFFFFD800  }
0x89: {  	[tilespmem:s19], [sflag:$0x1] =	stream.indirect.gather [hbm4b:s6+s22], $0x50, s14, s22, $0xb8;
	[tilespmem:$0x12000] =	vst v63  }
0x8a: {  	_ =	swait.ge [sflag:s26], $0x2800  }
0x8b: {  	[sflag:s26] =	ssyncset.done $0x0  }
0x8c: {  	[sflag:s26] =	ssyncadd.s32 $0xFFFFD800  }
0x8d: {  	[spmem:s2] =	stream.indirect.scatter.add.f32 [tilespmem:s23], [sflag:$0x3], $0x50, s15, s22, $0xb8;
	[tilespmem:$0x12000] =	vst v63  }
0x8e: {  	_ =	swait.ge [sflag:s20], $0x2800  }
0x8f: {  	[sflag:s20] =	ssyncset.done $0x0  }
0x90: {  	[sflag:s20] =	ssyncadd.s32 $0xFFFFD800  }
0x91: {  	[tilespmem:s23], [sflag:$0x2] =	stream.indirect.gather [hbm4b:s6+s22], $0x50, s16, s22, $0xb8;
	[tilespmem:$0x12000] =	vst v63  }
0x92: {  	_ =	swait.ge [sflag:s24], $0x2800  }
0x93: {  	[sflag:s24] =	ssyncset.done $0x0  }
0x94: {  	[sflag:s24] =	ssyncadd.s32 $0xFFFFD800  }
0x95: {  	[spmem:s2] =	stream.indirect.scatter.add.f32 [tilespmem:s19], [sflag:$0x3], $0x50, s17, s22, $0xb8;
	[tilespmem:$0x12000] =	vst v63  }
0x96: {  	_ =	swait.ge [sflag:s20], $0x2800  }
0x97: {  	[sflag:s20] =	ssyncset.done $0x0  }
0x98: {  	[sflag:s20] =	ssyncadd.s32 $0xFFFFD800  }
0x99: {  	s9 =	sadd.s32 $0x1, s9;
	_ =	swait.ge [sflag:s26], $0x2800  }
0x9a: {  	p0 =	sne.s32 s9, $0x14;
	[sflag:s26] =	ssyncset.done $0x0  }
.Ltmp2:
0x9b: {  	[sflag:s26] =	ssyncadd.s32 $0xFFFFD800;
	(pc) =	sbr.rel @p0 .LBB2_4-.Ltmp2, $4  }
0x9c: {  	[spmem:s2] =	stream.indirect.scatter.add.f32 [tilespmem:s23], [sflag:$0x3], $0x50, s18, s22, $0xb8;
	[tilespmem:$0x12000] =	vst v63  }
0x9d: {  	_ =	swait.ge [sflag:s20], $0x2800  }
0x9e: {  	[sflag:s20] =	ssyncset.done $0x0  }
0x9f: {  	[sflag:s20] =	ssyncadd.s32 $0xFFFFD800  }
0xa0: {  	[bflag:$0x0] =	sbarrier.arrive $0xFFFF  }
0xa1: {  	s7 =	rddreg [dreg:$0x4]  }
0xa2: {  	[tilespmem:s19], [sflag:$0x3] =	stream.linear.gather [spmem:s7], $0x2800, $0x38;
	[tilespmem:$0x12000] =	vst v63  }
0xa3: {  	_ =	swait.ge [sflag:s20], $0x2800  }
0xa4: {  	[sflag:s20] =	ssyncset.done $0x0  }
0xa5: {  	s10 =	rddreg [dreg:$0x9];
	[sflag:s20] =	ssyncadd.s32 $0xFFFFD800  }
0xa6: {  	[hbm4b:s10+s4] =	stream.linear.scatter [tilespmem:s19], [sflag:$0x3], $0x2800, $0x38;
	[tilespmem:$0x12000] =	vst v63  }
0xa7: {  	_ =	swait.ge [sflag:s20], $0x2800  }
0xa8: {  	[sflag:s20] =	ssyncset.done $0x0  }
0xa9: {  	s11 =	rddreg [dreg:$0x5];
	[sflag:s20] =	ssyncadd.s32 $0xFFFFD800  }
0xaa: {  	[tilespmem:s19], [sflag:$0x3] =	stream.linear.gather [spmem:s11], $0x2800, $0x38;
	[tilespmem:$0x12000] =	vst v63  }
0xab: {  	_ =	swait.ge [sflag:s20], $0x2800  }
0xac: {  	[sflag:s20] =	ssyncset.done $0x0  }
0xad: {  	s8 =	rddreg [dreg:$0xa];
	[sflag:s20] =	ssyncadd.s32 $0xFFFFD800  }
0xae: {  	[hbm4b:s8+s4] =	stream.linear.scatter [tilespmem:s19], [sflag:$0x3], $0x2800, $0x38;
	[tilespmem:$0x12000] =	vst v63  }
0xaf: {  	_ =	swait.ge [sflag:s20], $0x2800  }
0xb0: {  	[sflag:s20] =	ssyncset.done $0x0  }
0xb1: {  	s9 =	rddreg [dreg:$0x6];
	[sflag:s20] =	ssyncadd.s32 $0xFFFFD800  }
0xb2: {  	[tilespmem:s19], [sflag:$0x3] =	stream.linear.gather [spmem:s9], $0x2800, $0x38;
	[tilespmem:$0x12000] =	vst v63  }
0xb3: {  	_ =	swait.ge [sflag:s20], $0x2800  }
0xb4: {  	[sflag:s20] =	ssyncset.done $0x0  }
0xb5: {  	s10 =	rddreg [dreg:$0xb];
	[sflag:s20] =	ssyncadd.s32 $0xFFFFD800  }
0xb6: {  	[hbm4b:s10+s4] =	stream.linear.scatter [tilespmem:s19], [sflag:$0x3], $0x2800, $0x38;
	[tilespmem:$0x12000] =	vst v63  }
0xb7: {  	_ =	swait.ge [sflag:s20], $0x2800  }
0xb8: {  	[sflag:s20] =	ssyncset.done $0x0  }
0xb9: {  	s11 =	rddreg [dreg:$0x7];
	[sflag:s20] =	ssyncadd.s32 $0xFFFFD800  }
0xba: {  	[tilespmem:s19], [sflag:$0x3] =	stream.linear.gather [spmem:s11], $0x2800, $0x38;
	[tilespmem:$0x12000] =	vst v63  }
0xbb: {  	_ =	swait.ge [sflag:s20], $0x2800  }
0xbc: {  	[sflag:s20] =	ssyncset.done $0x0  }
0xbd: {  	s8 =	rddreg [dreg:$0xc];
	[sflag:s20] =	ssyncadd.s32 $0xFFFFD800  }
0xbe: {  	[hbm4b:s8+s4] =	stream.linear.scatter [tilespmem:s19], [sflag:$0x3], $0x2800, $0x38;
	[tilespmem:$0x12000] =	vst v63  }
0xbf: {  	_ =	swait.ge [sflag:s20], $0x2800  }
0xc0: {  	[sflag:s20] =	ssyncset.done $0x0  }
0xc1: {  	s9 =	rddreg [dreg:$0x8];
	[sflag:s20] =	ssyncadd.s32 $0xFFFFD800  }
0xc2: {  	[tilespmem:s19], [sflag:$0x3] =	stream.linear.gather [spmem:s9], $0x2800, $0x38;
	[tilespmem:$0x12000] =	vst v63  }
0xc3: {  	_ =	swait.ge [sflag:s20], $0x2800  }
0xc4: {  	[sflag:s20] =	ssyncset.done $0x0  }
0xc5: {  	s10 =	rddreg [dreg:$0xd];
	[sflag:s20] =	ssyncadd.s32 $0xFFFFD800  }
0xc6: {  	[hbm4b:s10+s4] =	stream.linear.scatter [tilespmem:s19], [sflag:$0x3], $0x2800, $0x38;
	[tilespmem:$0x12000] =	vst v63  }
0xc7: {  	_ =	swait.ge [sflag:s20], $0x2800  }
0xc8: {  	s8 =	rddreg [dreg:$0xf]  }
0xc9: {  	s11 =	rddreg [dreg:$0xe];
	s8 =	sadd.s32 $0x1, s8  }
0xca: {  	p0 =	sne.s32 s8, s11  }
.Ltmp3:
0xcb: {  	_ = 	snop;
	(pc) =	sbr.rel @p0 .LBB2_1-.Ltmp3, $3  }
0xcc: {  	_ =	sdelay $0x1  }
0xcd: {  	[sflag:s20] =	ssyncset.done $0x0  }
0xce: {  	[sflag:s20] =	ssyncadd.s32 $0xFFFFD800  }
0xcf: {  	_ =	sfence.sel $0x180000  }
0xd0: {  	[bflag:$0x0] =	sbarrier.arrive $0xFFFF  }
0xd1: {  	_ =	strace $0x90000047  }
0xd2: {  	s0 =	stileid.u32;
	[bflag:$0x2] =	sbarrier.arrive $0xFFFF  }
0xd3: {  	p0 =	sne.s32 s0, $0x0;
	s0 =	rddreg [dreg:$0x3]  }
0xd4: {  	s0 =	sadd.s32 @!p0 $0x100000, s0  }
0xd5: {  	[sflag:s0] =	ssyncadd.tile.s32 @!p0 $0x1;
	_ =	shalt  }
.Lfunc_end2:
_tile_overlayer_lowered:
.L_overlay_start_2:
0xd6: {  	(tag) =	ssettag $0x2  }
0xd7: {  	s0 =	rddreg [dreg:$0x0];
	s2 =	stileid.u32  }
0xd8: {  	s1 =	rddreg [dreg:$0x1];
	p0 =	sne.s32 s2, $0x0  }
0xd9: {  	s3 =	rddreg [dreg:$0x2];
	[bflag:$0x3] =	sbarrier.arrive $0xFFFF;
	s2 =	simm.s32 @!p0 $0x1C03  }
0xda: {  	[timem:s3], [sflag:s2] =	dma.local @!p0 [hbm:s0], s1  }
0xdb: {  	s0 =	simm.s32 @!p0 $0x3  }
0xdc: {  	_ =	swait.ge @!p0 [sflag:s0], s1  }
0xdd: {  	s1 =	ssub.s32 @!p0 $0x0, s1;
	[sflag:s0] =	ssyncset.done @!p0 $0x0  }
0xde: {  	[sflag:s0] =	ssyncadd.s32 @!p0 s1  }
0xdf: {  	[bflag:$0x3] =	sbarrier.arrive $0xFFFF  }
0xe0: {  	_ =	shalt  }

</sc_bundles>
